<compile_context>
chip_gen: v7x
topology: tpu7x:2x2x1
jax: 0.10.2.dev20260603
libtpu: 0.0.44.dev20260713+nightly
codegen_flags: <defaults>
</compile_context>

<pallas_src>
import jax
import jax.numpy as jnp
from jax import lax
from jax.experimental import pallas as pl
from jax.experimental.pallas import tpu as pltpu
from jax.experimental.pallas import tpu_sc as plsc

_NC = 2
_NS = 16
_NW = _NC * _NS
_K = 8


def _make_sc_kernel(B, L, P, D, K):
    rows_per_w = P // _NW
    mesh = plsc.VectorSubcoreMesh(core_axis_name="c", subcore_axis_name="s")

    def body(input_ids_hbm, prompt_hbm, idx_hbm, table_hbm,
             ids_out_hbm, emb_out_hbm,
             idx_v, rows_v, ids_v, gsem, wsem):
        wid = lax.axis_index("s") * _NC + lax.axis_index("c")
        base = wid * rows_per_w
        pltpu.sync_copy(idx_hbm.at[pl.ds(base, rows_per_w)], idx_v)
        gather = pltpu.async_copy(table_hbm.at[idx_v], rows_v, gsem)

        @pl.when(wid < B)
        def _():
            pltpu.sync_copy(prompt_hbm, ids_v)
            pltpu.sync_copy(ids_v, ids_out_hbm.at[wid, pl.ds(0, P)])
            pltpu.sync_copy(input_ids_hbm.at[wid], ids_v)
            pltpu.sync_copy(ids_v, ids_out_hbm.at[wid, pl.ds(P, L)])

        gather.wait()
        writes = [
            pltpu.async_copy(
                rows_v, emb_out_hbm.at[b, pl.ds(base, rows_per_w)], wsem)
            for b in range(K)
        ]
        for w in writes:
            w.wait()

    return pl.kernel(
        body,
        out_type=(
            jax.ShapeDtypeStruct((B, P + L), jnp.int32),
            jax.ShapeDtypeStruct((K, P, D), jnp.float32),
        ),
        mesh=mesh,
        scratch_types=[
            pltpu.VMEM((rows_per_w,), jnp.int32),
            pltpu.VMEM((rows_per_w, D), jnp.float32),
            pltpu.VMEM((max(P, L),), jnp.int32),
            pltpu.SemaphoreType.DMA,
            pltpu.SemaphoreType.DMA,
        ],
    )


def _tc_broadcast(idx, table_aug, NB, P, D):
    RB = 16
    RPB = P // RB

    def body(idx_smem, table_vmem, out_vmem, scratch_vmem):
        rb = pl.program_id(0)
        b = pl.program_id(1)

        @pl.when(b == 0)
        def _():
            def gather_row(i, c):
                scratch_vmem[i, :] = table_vmem[idx_smem[rb * RPB + i], :]
                return c
            lax.fori_loop(0, RPB, gather_row, 0, unroll=8)

        out_vmem[0] = scratch_vmem[...]

    return pl.pallas_call(
        body,
        grid=(RB, NB),
        in_specs=[
            pl.BlockSpec(memory_space=pltpu.SMEM),
            pl.BlockSpec((table_aug.shape[0], D), lambda rb, b: (0, 0)),
        ],
        out_specs=pl.BlockSpec((1, RPB, D), lambda rb, b: (b, rb, 0)),
        out_shape=jax.ShapeDtypeStruct((NB, P, D), jnp.float32),
        scratch_shapes=[pltpu.VMEM((RPB, D), jnp.float32)],
    )(idx, table_aug)


def kernel(input_ids, prompt_ids, embed_weight):
    B, L = input_ids.shape
    P, D = embed_weight.shape
    idx = jnp.where(prompt_ids < P, prompt_ids, P).astype(jnp.int32)
    table_aug = jnp.concatenate(
        [embed_weight, jnp.full((8, D), jnp.nan, embed_weight.dtype)], axis=0)
    sc = _make_sc_kernel(B, L, P, D, _K)
    prepended_ids, emb_lo = sc(input_ids, prompt_ids, idx, table_aug)
    emb_hi = _tc_broadcast(idx, table_aug, B - _K, P, D)
    prompt_embeds = jnp.concatenate([emb_lo, emb_hi], axis=0)
    return prepended_ids, prompt_embeds

# --- scband reference (transcript-rebuilt; emitter-appended) ---
"""Pipeline reference for scband-prompt-bank-11931419148919 (READ-ONLY COPY).

The authoritative reference and input builder live on the scoring server;
editing this copy changes nothing except your own understanding.
"""

import jax, jax.numpy as jnp
import numpy as np

B = 16       # batch size
L = 2048     # user input sequence length
P = 2048     # baked prompt length (len(token_ids) after tokenizing manifest)
D = 1024     # embed_dim
VOCAB = 32000


def setup_inputs(seed: int = 0) -> dict:
    key = jax.random.key(seed)
    k1, k2, k3 = jax.random.split(key, 3)
    # batch of user input ids (randint fill, values < VOCAB)
    input_ids = jax.random.randint(k1, (B, L), 0, VOCAB, dtype=jnp.int32)
    # frozen buffer: token ids of the json-serialized manifest (synthesized here)
    prompt_ids = jax.random.randint(k2, (P,), 0, VOCAB, dtype=jnp.int32)
    # frozen nn.Embedding(P, D) weight, init normal(std=0.02)
    embed_weight = jax.random.normal(k3, (P, D), dtype=jnp.float32) * 0.02
    return {"input_ids": input_ids, "prompt_ids": prompt_ids, "embed_weight": embed_weight}


def reference(input_ids, prompt_ids, embed_weight):
    # PromptBank.prepend: repeat prompt ids across the batch and concat in front
    bsz = input_ids.shape[0]
    prompt_batch = jnp.broadcast_to(prompt_ids[None, :], (bsz, prompt_ids.shape[0]))
    prepended_ids = jnp.concatenate([prompt_batch, input_ids], axis=1)
    # embedding lookup of the baked prompt tokens from the frozen bank
    # (embedding table only covers the P prompt positions, as in the module)
    prompt_embeds = jnp.take(embed_weight, prompt_batch, axis=0)
    return prepended_ids, prompt_embeds

if __name__ == "__main__":
    import jax
    _d = setup_inputs()
    print(jax.jit(kernel)(*tuple(_d.values())))

</pallas_src>

<mosaic_0001>
#map = affine_map<(d0, d1) -> (0, 0)>
#map1 = affine_map<(d0, d1) -> (0)>
#map2 = affine_map<(d0, d1) -> (0, 0, 0)>
module attributes {stable_mosaic.version = 14 : i64} {
  func.func @body(%arg0: i32, %arg1: i32, %arg2: memref<16x2048xi32, #tpu.memory_space<hbm>>, %arg3: memref<2048xi32, #tpu.memory_space<hbm>>, %arg4: memref<2048xi32, #tpu.memory_space<hbm>>, %arg5: memref<2056x1024xf32, #tpu.memory_space<hbm>>, %arg6: memref<16x4096xi32, #tpu.memory_space<hbm>>, %arg7: memref<8x2048x1024xf32, #tpu.memory_space<hbm>>, %arg8: memref<64xi32, #tpu.memory_space<vmem>>, %arg9: memref<64x1024xf32, #tpu.memory_space<vmem>>, %arg10: memref<2048xi32, #tpu.memory_space<vmem>>, %arg11: memref<!tpu.dma_semaphore, #tpu.memory_space<semaphore_mem>>, %arg12: memref<!tpu.dma_semaphore, #tpu.memory_space<semaphore_mem>>) attributes {dimension_semantics = [#tpu.dimension_semantics<core_parallel>, #tpu.dimension_semantics<subcore_parallel>], iteration_bounds = array<i64: 2, 16>, scalar_prefetch = 0 : i64, scratch_operands = 5 : i64, tpu.core_type = #tpu.core_type<sc_vector_subcore>, window_params = [{transform_indices = #map}, {transform_indices = #map1}, {transform_indices = #map1}, {transform_indices = #map}, {transform_indices = #map}, {transform_indices = #map2}]} {
    %mul3A = arith.constant 2 : i32
    %mul3A_0 = arith.muli %arg1, %mul3A : i32
    %add3A = arith.addi %mul3A_0, %arg0 : i32
    %mul3A_1 = arith.constant 64 : i32
    %mul3A_2 = arith.muli %add3A, %mul3A_1 : i32
    "tpu.region"() ({
      %run_scoped3A = tpu.sem_alloc : memref<!tpu.dma_semaphore, #tpu.memory_space<semaphore_mem>>
      %dma_start3A_121 = tpu.memref_slice %arg4[%mul3A_2] : memref<2048xi32, #tpu.memory_space<hbm>> -> memref<64xi32, #tpu.memory_space<hbm>>
      %dma_start3A_122 = tpu.memref_slice %arg4[%mul3A_2] : memref<2048xi32, #tpu.memory_space<hbm>> -> memref<64xi32, #tpu.memory_space<hbm>>
      tpu.enqueue_dma source(%dma_start3A_122 : memref<64xi32, #tpu.memory_space<hbm>>) target(%arg8 : memref<64xi32, #tpu.memory_space<vmem>>) target_semaphore(%run_scoped3A : memref<!tpu.dma_semaphore, #tpu.memory_space<semaphore_mem>>)
      %dma_wait3A_123 = tpu.memref_slice %arg4[%mul3A_2] : memref<2048xi32, #tpu.memory_space<hbm>> -> memref<64xi32, #tpu.memory_space<hbm>>
      %dma_wait3A_124 = tpu.memref_slice %arg4[%mul3A_2] : memref<2048xi32, #tpu.memory_space<hbm>> -> memref<64xi32, #tpu.memory_space<hbm>>
      tpu.wait_dma2 semaphore(%run_scoped3A : memref<!tpu.dma_semaphore, #tpu.memory_space<semaphore_mem>>) src(%dma_wait3A_124 : memref<64xi32, #tpu.memory_space<hbm>>) dst(%arg8 : memref<64xi32, #tpu.memory_space<vmem>>)
      tpu.yield
    }) : () -> ()
    %dma_start3A = arith.constant 0 : i32
    %dma_start3A_3 = arith.constant 0 : i32
    %dma_start3A_4 = tpu.memref_slice %arg5[%dma_start3A, %dma_start3A_3] : memref<2056x1024xf32, #tpu.memory_space<hbm>> -> memref<2056x1024xf32, #tpu.memory_space<hbm>>
    tpu.enqueue_indirect_dma source(%dma_start3A_4 : memref<2056x1024xf32, #tpu.memory_space<hbm>>) target(%arg9 : memref<64x1024xf32, #tpu.memory_space<vmem>>) offsets(%arg8 : memref<64xi32, #tpu.memory_space<vmem>>) semaphore(%arg11 : memref<!tpu.dma_semaphore, #tpu.memory_space<semaphore_mem>>)
    %lt3A = arith.constant 16 : i32
    %lt3A_5 = arith.cmpi slt, %add3A, %lt3A : i32
    %convert_element_type3A = arith.extui %lt3A_5 : i1 to i32
    %cond3A = arith.constant 0 : i32
    %cond3A_6 = arith.cmpi ne, %convert_element_type3A, %cond3A : i32
    scf.if %cond3A_6 {
      "tpu.region"() ({
        %run_scoped3A = tpu.sem_alloc : memref<!tpu.dma_semaphore, #tpu.memory_space<semaphore_mem>>
        tpu.enqueue_dma source(%arg3 : memref<2048xi32, #tpu.memory_space<hbm>>) target(%arg10 : memref<2048xi32, #tpu.memory_space<vmem>>) target_semaphore(%run_scoped3A : memref<!tpu.dma_semaphore, #tpu.memory_space<semaphore_mem>>)
        tpu.wait_dma2 semaphore(%run_scoped3A : memref<!tpu.dma_semaphore, #tpu.memory_space<semaphore_mem>>) src(%arg3 : memref<2048xi32, #tpu.memory_space<hbm>>) dst(%arg10 : memref<2048xi32, #tpu.memory_space<vmem>>)
        tpu.yield
      }) : () -> ()
      "tpu.region"() ({
        %run_scoped3A = tpu.sem_alloc : memref<!tpu.dma_semaphore, #tpu.memory_space<semaphore_mem>>
        %dma_start3A_121 = arith.constant 0 : i32
        %dma_start3A_122 = tpu.memref_slice %arg6[%add3A, %dma_start3A_121] : memref<16x4096xi32, #tpu.memory_space<hbm>> -> memref<1x2048xi32, #tpu.memory_space<hbm>>
        %dma_start3A_123 = tpu.memref_squeeze %dma_start3A_122 : memref<1x2048xi32, #tpu.memory_space<hbm>> -> memref<2048xi32, #tpu.memory_space<hbm>>
        %dma_start3A_124 = arith.constant 0 : i32
        %dma_start3A_125 = tpu.memref_slice %arg6[%add3A, %dma_start3A_124] : memref<16x4096xi32, #tpu.memory_space<hbm>> -> memref<1x2048xi32, #tpu.memory_space<hbm>>
        %dma_start3A_126 = tpu.memref_squeeze %dma_start3A_125 : memref<1x2048xi32, #tpu.memory_space<hbm>> -> memref<2048xi32, #tpu.memory_space<hbm>>
        tpu.enqueue_dma source(%arg10 : memref<2048xi32, #tpu.memory_space<vmem>>) target(%dma_start3A_126 : memref<2048xi32, #tpu.memory_space<hbm>>) target_semaphore(%run_scoped3A : memref<!tpu.dma_semaphore, #tpu.memory_space<semaphore_mem>>)
        %dma_wait3A_127 = arith.constant 0 : i32
        %dma_wait3A_128 = tpu.memref_slice %arg6[%add3A, %dma_wait3A_127] : memref<16x4096xi32, #tpu.memory_space<hbm>> -> memref<1x2048xi32, #tpu.memory_space<hbm>>
        %dma_wait3A_129 = tpu.memref_squeeze %dma_wait3A_128 : memref<1x2048xi32, #tpu.memory_space<hbm>> -> memref<2048xi32, #tpu.memory_space<hbm>>
        %dma_wait3A_130 = arith.constant 0 : i32
        %dma_wait3A_131 = tpu.memref_slice %arg6[%add3A, %dma_wait3A_130] : memref<16x4096xi32, #tpu.memory_space<hbm>> -> memref<1x2048xi32, #tpu.memory_space<hbm>>
        %dma_wait3A_132 = tpu.memref_squeeze %dma_wait3A_131 : memref<1x2048xi32, #tpu.memory_space<hbm>> -> memref<2048xi32, #tpu.memory_space<hbm>>
        tpu.wait_dma2 semaphore(%run_scoped3A : memref<!tpu.dma_semaphore, #tpu.memory_space<semaphore_mem>>) src(%arg10 : memref<2048xi32, #tpu.memory_space<vmem>>) dst(%dma_wait3A_132 : memref<2048xi32, #tpu.memory_space<hbm>>)
        tpu.yield
      }) : () -> ()
      "tpu.region"() ({
        %run_scoped3A = tpu.sem_alloc : memref<!tpu.dma_semaphore, #tpu.memory_space<semaphore_mem>>
        %dma_start3A_121 = arith.constant 0 : i32
        %dma_start3A_122 = tpu.memref_slice %arg2[%add3A, %dma_start3A_121] : memref<16x2048xi32, #tpu.memory_space<hbm>> -> memref<1x2048xi32, #tpu.memory_space<hbm>>
        %dma_start3A_123 = tpu.memref_squeeze %dma_start3A_122 : memref<1x2048xi32, #tpu.memory_space<hbm>> -> memref<2048xi32, #tpu.memory_space<hbm>>
        %dma_start3A_124 = arith.constant 0 : i32
        %dma_start3A_125 = tpu.memref_slice %arg2[%add3A, %dma_start3A_124] : memref<16x2048xi32, #tpu.memory_space<hbm>> -> memref<1x2048xi32, #tpu.memory_space<hbm>>
        %dma_start3A_126 = tpu.memref_squeeze %dma_start3A_125 : memref<1x2048xi32, #tpu.memory_space<hbm>> -> memref<2048xi32, #tpu.memory_space<hbm>>
        tpu.enqueue_dma source(%dma_start3A_126 : memref<2048xi32, #tpu.memory_space<hbm>>) target(%arg10 : memref<2048xi32, #tpu.memory_space<vmem>>) target_semaphore(%run_scoped3A : memref<!tpu.dma_semaphore, #tpu.memory_space<semaphore_mem>>)
        %dma_wait3A_127 = arith.constant 0 : i32
        %dma_wait3A_128 = tpu.memref_slice %arg2[%add3A, %dma_wait3A_127] : memref<16x2048xi32, #tpu.memory_space<hbm>> -> memref<1x2048xi32, #tpu.memory_space<hbm>>
        %dma_wait3A_129 = tpu.memref_squeeze %dma_wait3A_128 : memref<1x2048xi32, #tpu.memory_space<hbm>> -> memref<2048xi32, #tpu.memory_space<hbm>>
        %dma_wait3A_130 = arith.constant 0 : i32
        %dma_wait3A_131 = tpu.memref_slice %arg2[%add3A, %dma_wait3A_130] : memref<16x2048xi32, #tpu.memory_space<hbm>> -> memref<1x2048xi32, #tpu.memory_space<hbm>>
        %dma_wait3A_132 = tpu.memref_squeeze %dma_wait3A_131 : memref<1x2048xi32, #tpu.memory_space<hbm>> -> memref<2048xi32, #tpu.memory_space<hbm>>
        tpu.wait_dma2 semaphore(%run_scoped3A : memref<!tpu.dma_semaphore, #tpu.memory_space<semaphore_mem>>) src(%dma_wait3A_132 : memref<2048xi32, #tpu.memory_space<hbm>>) dst(%arg10 : memref<2048xi32, #tpu.memory_space<vmem>>)
        tpu.yield
      }) : () -> ()
      "tpu.region"() ({
        %run_scoped3A = tpu.sem_alloc : memref<!tpu.dma_semaphore, #tpu.memory_space<semaphore_mem>>
        %dma_start3A_121 = arith.constant 2048 : i32
        %dma_start3A_122 = tpu.memref_slice %arg6[%add3A, %dma_start3A_121] : memref<16x4096xi32, #tpu.memory_space<hbm>> -> memref<1x2048xi32, #tpu.memory_space<hbm>>
        %dma_start3A_123 = tpu.memref_squeeze %dma_start3A_122 : memref<1x2048xi32, #tpu.memory_space<hbm>> -> memref<2048xi32, #tpu.memory_space<hbm>>
        %dma_start3A_124 = arith.constant 2048 : i32
        %dma_start3A_125 = tpu.memref_slice %arg6[%add3A, %dma_start3A_124] : memref<16x4096xi32, #tpu.memory_space<hbm>> -> memref<1x2048xi32, #tpu.memory_space<hbm>>
        %dma_start3A_126 = tpu.memref_squeeze %dma_start3A_125 : memref<1x2048xi32, #tpu.memory_space<hbm>> -> memref<2048xi32, #tpu.memory_space<hbm>>
        tpu.enqueue_dma source(%arg10 : memref<2048xi32, #tpu.memory_space<vmem>>) target(%dma_start3A_126 : memref<2048xi32, #tpu.memory_space<hbm>>) target_semaphore(%run_scoped3A : memref<!tpu.dma_semaphore, #tpu.memory_space<semaphore_mem>>)
        %dma_wait3A_127 = arith.constant 2048 : i32
        %dma_wait3A_128 = tpu.memref_slice %arg6[%add3A, %dma_wait3A_127] : memref<16x4096xi32, #tpu.memory_space<hbm>> -> memref<1x2048xi32, #tpu.memory_space<hbm>>
        %dma_wait3A_129 = tpu.memref_squeeze %dma_wait3A_128 : memref<1x2048xi32, #tpu.memory_space<hbm>> -> memref<2048xi32, #tpu.memory_space<hbm>>
        %dma_wait3A_130 = arith.constant 2048 : i32
        %dma_wait3A_131 = tpu.memref_slice %arg6[%add3A, %dma_wait3A_130] : memref<16x4096xi32, #tpu.memory_space<hbm>> -> memref<1x2048xi32, #tpu.memory_space<hbm>>
        %dma_wait3A_132 = tpu.memref_squeeze %dma_wait3A_131 : memref<1x2048xi32, #tpu.memory_space<hbm>> -> memref<2048xi32, #tpu.memory_space<hbm>>
        tpu.wait_dma2 semaphore(%run_scoped3A : memref<!tpu.dma_semaphore, #tpu.memory_space<semaphore_mem>>) src(%arg10 : memref<2048xi32, #tpu.memory_space<vmem>>) dst(%dma_wait3A_132 : memref<2048xi32, #tpu.memory_space<hbm>>)
        tpu.yield
      }) : () -> ()
    } else {
    }
    %dma_wait3A = arith.constant 0 : i32
    %dma_wait3A_7 = arith.constant 0 : i32
    %dma_wait3A_8 = tpu.memref_slice %arg5[%dma_wait3A, %dma_wait3A_7] : memref<2056x1024xf32, #tpu.memory_space<hbm>> -> memref<2056x1024xf32, #tpu.memory_space<hbm>>
    tpu.wait_indirect_dma semaphore(%arg11 : memref<!tpu.dma_semaphore, #tpu.memory_space<semaphore_mem>>) src(%dma_wait3A_8 : memref<2056x1024xf32, #tpu.memory_space<hbm>>) dst(%arg9 : memref<64x1024xf32, #tpu.memory_space<vmem>>)
    %dma_start3A_9 = arith.constant 0 : i32
    %dma_start3A_10 = arith.constant 0 : i32
    %dma_start3A_11 = tpu.memref_slice %arg7[%dma_start3A_9, %mul3A_2, %dma_start3A_10] : memref<8x2048x1024xf32, #tpu.memory_space<hbm>> -> memref<1x64x1024xf32, #tpu.memory_space<hbm>>
    %dma_start3A_12 = tpu.memref_squeeze %dma_start3A_11 : memref<1x64x1024xf32, #tpu.memory_space<hbm>> -> memref<64x1024xf32, #tpu.memory_space<hbm>>
    %dma_start3A_13 = arith.constant 0 : i32
    %dma_start3A_14 = tpu.memref_slice %arg7[%dma_start3A_9, %mul3A_2, %dma_start3A_13] : memref<8x2048x1024xf32, #tpu.memory_space<hbm>> -> memref<1x64x1024xf32, #tpu.memory_space<hbm>>
    %dma_start3A_15 = tpu.memref_squeeze %dma_start3A_14 : memref<1x64x1024xf32, #tpu.memory_space<hbm>> -> memref<64x1024xf32, #tpu.memory_space<hbm>>
    tpu.enqueue_dma source(%arg9 : memref<64x1024xf32, #tpu.memory_space<vmem>>) target(%dma_start3A_15 : memref<64x1024xf32, #tpu.memory_space<hbm>>) target_semaphore(%arg12 : memref<!tpu.dma_semaphore, #tpu.memory_space<semaphore_mem>>)
    %dma_start3A_16 = arith.constant 1 : i32
    %dma_start3A_17 = arith.constant 0 : i32
    %dma_start3A_18 = tpu.memref_slice %arg7[%dma_start3A_16, %mul3A_2, %dma_start3A_17] : memref<8x2048x1024xf32, #tpu.memory_space<hbm>> -> memref<1x64x1024xf32, #tpu.memory_space<hbm>>
    %dma_start3A_19 = tpu.memref_squeeze %dma_start3A_18 : memref<1x64x1024xf32, #tpu.memory_space<hbm>> -> memref<64x1024xf32, #tpu.memory_space<hbm>>
    %dma_start3A_20 = arith.constant 0 : i32
    %dma_start3A_21 = tpu.memref_slice %arg7[%dma_start3A_16, %mul3A_2, %dma_start3A_20] : memref<8x2048x1024xf32, #tpu.memory_space<hbm>> -> memref<1x64x1024xf32, #tpu.memory_space<hbm>>
    %dma_start3A_22 = tpu.memref_squeeze %dma_start3A_21 : memref<1x64x1024xf32, #tpu.memory_space<hbm>> -> memref<64x1024xf32, #tpu.memory_space<hbm>>
    tpu.enqueue_dma source(%arg9 : memref<64x1024xf32, #tpu.memory_space<vmem>>) target(%dma_start3A_22 : memref<64x1024xf32, #tpu.memory_space<hbm>>) target_semaphore(%arg12 : memref<!tpu.dma_semaphore, #tpu.memory_space<semaphore_mem>>)
    %dma_start3A_23 = arith.constant 2 : i32
    %dma_start3A_24 = arith.constant 0 : i32
    %dma_start3A_25 = tpu.memref_slice %arg7[%dma_start3A_23, %mul3A_2, %dma_start3A_24] : memref<8x2048x1024xf32, #tpu.memory_space<hbm>> -> memref<1x64x1024xf32, #tpu.memory_space<hbm>>
    %dma_start3A_26 = tpu.memref_squeeze %dma_start3A_25 : memref<1x64x1024xf32, #tpu.memory_space<hbm>> -> memref<64x1024xf32, #tpu.memory_space<hbm>>
    %dma_start3A_27 = arith.constant 0 : i32
    %dma_start3A_28 = tpu.memref_slice %arg7[%dma_start3A_23, %mul3A_2, %dma_start3A_27] : memref<8x2048x1024xf32, #tpu.memory_space<hbm>> -> memref<1x64x1024xf32, #tpu.memory_space<hbm>>
    %dma_start3A_29 = tpu.memref_squeeze %dma_start3A_28 : memref<1x64x1024xf32, #tpu.memory_space<hbm>> -> memref<64x1024xf32, #tpu.memory_space<hbm>>
    tpu.enqueue_dma source(%arg9 : memref<64x1024xf32, #tpu.memory_space<vmem>>) target(%dma_start3A_29 : memref<64x1024xf32, #tpu.memory_space<hbm>>) target_semaphore(%arg12 : memref<!tpu.dma_semaphore, #tpu.memory_space<semaphore_mem>>)
    %dma_start3A_30 = arith.constant 3 : i32
    %dma_start3A_31 = arith.constant 0 : i32
    %dma_start3A_32 = tpu.memref_slice %arg7[%dma_start3A_30, %mul3A_2, %dma_start3A_31] : memref<8x2048x1024xf32, #tpu.memory_space<hbm>> -> memref<1x64x1024xf32, #tpu.memory_space<hbm>>
    %dma_start3A_33 = tpu.memref_squeeze %dma_start3A_32 : memref<1x64x1024xf32, #tpu.memory_space<hbm>> -> memref<64x1024xf32, #tpu.memory_space<hbm>>
    %dma_start3A_34 = arith.constant 0 : i32
    %dma_start3A_35 = tpu.memref_slice %arg7[%dma_start3A_30, %mul3A_2, %dma_start3A_34] : memref<8x2048x1024xf32, #tpu.memory_space<hbm>> -> memref<1x64x1024xf32, #tpu.memory_space<hbm>>
    %dma_start3A_36 = tpu.memref_squeeze %dma_start3A_35 : memref<1x64x1024xf32, #tpu.memory_space<hbm>> -> memref<64x1024xf32, #tpu.memory_space<hbm>>
    tpu.enqueue_dma source(%arg9 : memref<64x1024xf32, #tpu.memory_space<vmem>>) target(%dma_start3A_36 : memref<64x1024xf32, #tpu.memory_space<hbm>>) target_semaphore(%arg12 : memref<!tpu.dma_semaphore, #tpu.memory_space<semaphore_mem>>)
    %dma_start3A_37 = arith.constant 4 : i32
    %dma_start3A_38 = arith.constant 0 : i32
    %dma_start3A_39 = tpu.memref_slice %arg7[%dma_start3A_37, %mul3A_2, %dma_start3A_38] : memref<8x2048x1024xf32, #tpu.memory_space<hbm>> -> memref<1x64x1024xf32, #tpu.memory_space<hbm>>
    %dma_start3A_40 = tpu.memref_squeeze %dma_start3A_39 : memref<1x64x1024xf32, #tpu.memory_space<hbm>> -> memref<64x1024xf32, #tpu.memory_space<hbm>>
    %dma_start3A_41 = arith.constant 0 : i32
    %dma_start3A_42 = tpu.memref_slice %arg7[%dma_start3A_37, %mul3A_2, %dma_start3A_41] : memref<8x2048x1024xf32, #tpu.memory_space<hbm>> -> memref<1x64x1024xf32, #tpu.memory_space<hbm>>
    %dma_start3A_43 = tpu.memref_squeeze %dma_start3A_42 : memref<1x64x1024xf32, #tpu.memory_space<hbm>> -> memref<64x1024xf32, #tpu.memory_space<hbm>>
    tpu.enqueue_dma source(%arg9 : memref<64x1024xf32, #tpu.memory_space<vmem>>) target(%dma_start3A_43 : memref<64x1024xf32, #tpu.memory_space<hbm>>) target_semaphore(%arg12 : memref<!tpu.dma_semaphore, #tpu.memory_space<semaphore_mem>>)
    %dma_start3A_44 = arith.constant 5 : i32
    %dma_start3A_45 = arith.constant 0 : i32
    %dma_start3A_46 = tpu.memref_slice %arg7[%dma_start3A_44, %mul3A_2, %dma_start3A_45] : memref<8x2048x1024xf32, #tpu.memory_space<hbm>> -> memref<1x64x1024xf32, #tpu.memory_space<hbm>>
    %dma_start3A_47 = tpu.memref_squeeze %dma_start3A_46 : memref<1x64x1024xf32, #tpu.memory_space<hbm>> -> memref<64x1024xf32, #tpu.memory_space<hbm>>
    %dma_start3A_48 = arith.constant 0 : i32
    %dma_start3A_49 = tpu.memref_slice %arg7[%dma_start3A_44, %mul3A_2, %dma_start3A_48] : memref<8x2048x1024xf32, #tpu.memory_space<hbm>> -> memref<1x64x1024xf32, #tpu.memory_space<hbm>>
    %dma_start3A_50 = tpu.memref_squeeze %dma_start3A_49 : memref<1x64x1024xf32, #tpu.memory_space<hbm>> -> memref<64x1024xf32, #tpu.memory_space<hbm>>
    tpu.enqueue_dma source(%arg9 : memref<64x1024xf32, #tpu.memory_space<vmem>>) target(%dma_start3A_50 : memref<64x1024xf32, #tpu.memory_space<hbm>>) target_semaphore(%arg12 : memref<!tpu.dma_semaphore, #tpu.memory_space<semaphore_mem>>)
    %dma_start3A_51 = arith.constant 6 : i32
    %dma_start3A_52 = arith.constant 0 : i32
    %dma_start3A_53 = tpu.memref_slice %arg7[%dma_start3A_51, %mul3A_2, %dma_start3A_52] : memref<8x2048x1024xf32, #tpu.memory_space<hbm>> -> memref<1x64x1024xf32, #tpu.memory_space<hbm>>
    %dma_start3A_54 = tpu.memref_squeeze %dma_start3A_53 : memref<1x64x1024xf32, #tpu.memory_space<hbm>> -> memref<64x1024xf32, #tpu.memory_space<hbm>>
    %dma_start3A_55 = arith.constant 0 : i32
    %dma_start3A_56 = tpu.memref_slice %arg7[%dma_start3A_51, %mul3A_2, %dma_start3A_55] : memref<8x2048x1024xf32, #tpu.memory_space<hbm>> -> memref<1x64x1024xf32, #tpu.memory_space<hbm>>
    %dma_start3A_57 = tpu.memref_squeeze %dma_start3A_56 : memref<1x64x1024xf32, #tpu.memory_space<hbm>> -> memref<64x1024xf32, #tpu.memory_space<hbm>>
    tpu.enqueue_dma source(%arg9 : memref<64x1024xf32, #tpu.memory_space<vmem>>) target(%dma_start3A_57 : memref<64x1024xf32, #tpu.memory_space<hbm>>) target_semaphore(%arg12 : memref<!tpu.dma_semaphore, #tpu.memory_space<semaphore_mem>>)
    %dma_start3A_58 = arith.constant 7 : i32
    %dma_start3A_59 = arith.constant 0 : i32
    %dma_start3A_60 = tpu.memref_slice %arg7[%dma_start3A_58, %mul3A_2, %dma_start3A_59] : memref<8x2048x1024xf32, #tpu.memory_space<hbm>> -> memref<1x64x1024xf32, #tpu.memory_space<hbm>>
    %dma_start3A_61 = tpu.memref_squeeze %dma_start3A_60 : memref<1x64x1024xf32, #tpu.memory_space<hbm>> -> memref<64x1024xf32, #tpu.memory_space<hbm>>
    %dma_start3A_62 = arith.constant 0 : i32
    %dma_start3A_63 = tpu.memref_slice %arg7[%dma_start3A_58, %mul3A_2, %dma_start3A_62] : memref<8x2048x1024xf32, #tpu.memory_space<hbm>> -> memref<1x64x1024xf32, #tpu.memory_space<hbm>>
    %dma_start3A_64 = tpu.memref_squeeze %dma_start3A_63 : memref<1x64x1024xf32, #tpu.memory_space<hbm>> -> memref<64x1024xf32, #tpu.memory_space<hbm>>
    tpu.enqueue_dma source(%arg9 : memref<64x1024xf32, #tpu.memory_space<vmem>>) target(%dma_start3A_64 : memref<64x1024xf32, #tpu.memory_space<hbm>>) target_semaphore(%arg12 : memref<!tpu.dma_semaphore, #tpu.memory_space<semaphore_mem>>)
    %dma_wait3A_65 = arith.constant 0 : i32
    %dma_wait3A_66 = arith.constant 0 : i32
    %dma_wait3A_67 = tpu.memref_slice %arg7[%dma_wait3A_65, %mul3A_2, %dma_wait3A_66] : memref<8x2048x1024xf32, #tpu.memory_space<hbm>> -> memref<1x64x1024xf32, #tpu.memory_space<hbm>>
    %dma_wait3A_68 = tpu.memref_squeeze %dma_wait3A_67 : memref<1x64x1024xf32, #tpu.memory_space<hbm>> -> memref<64x1024xf32, #tpu.memory_space<hbm>>
    %dma_wait3A_69 = arith.constant 0 : i32
    %dma_wait3A_70 = tpu.memref_slice %arg7[%dma_wait3A_65, %mul3A_2, %dma_wait3A_69] : memref<8x2048x1024xf32, #tpu.memory_space<hbm>> -> memref<1x64x1024xf32, #tpu.memory_space<hbm>>
    %dma_wait3A_71 = tpu.memref_squeeze %dma_wait3A_70 : memref<1x64x1024xf32, #tpu.memory_space<hbm>> -> memref<64x1024xf32, #tpu.memory_space<hbm>>
    tpu.wait_dma2 semaphore(%arg12 : memref<!tpu.dma_semaphore, #tpu.memory_space<semaphore_mem>>) src(%arg9 : memref<64x1024xf32, #tpu.memory_space<vmem>>) dst(%dma_wait3A_71 : memref<64x1024xf32, #tpu.memory_space<hbm>>)
    %dma_wait3A_72 = arith.constant 1 : i32
    %dma_wait3A_73 = arith.constant 0 : i32
    %dma_wait3A_74 = tpu.memref_slice %arg7[%dma_wait3A_72, %mul3A_2, %dma_wait3A_73] : memref<8x2048x1024xf32, #tpu.memory_space<hbm>> -> memref<1x64x1024xf32, #tpu.memory_space<hbm>>
    %dma_wait3A_75 = tpu.memref_squeeze %dma_wait3A_74 : memref<1x64x1024xf32, #tpu.memory_space<hbm>> -> memref<64x1024xf32, #tpu.memory_space<hbm>>
    %dma_wait3A_76 = arith.constant 0 : i32
    %dma_wait3A_77 = tpu.memref_slice %arg7[%dma_wait3A_72, %mul3A_2, %dma_wait3A_76] : memref<8x2048x1024xf32, #tpu.memory_space<hbm>> -> memref<1x64x1024xf32, #tpu.memory_space<hbm>>
    %dma_wait3A_78 = tpu.memref_squeeze %dma_wait3A_77 : memref<1x64x1024xf32, #tpu.memory_space<hbm>> -> memref<64x1024xf32, #tpu.memory_space<hbm>>
    tpu.wait_dma2 semaphore(%arg12 : memref<!tpu.dma_semaphore, #tpu.memory_space<semaphore_mem>>) src(%arg9 : memref<64x1024xf32, #tpu.memory_space<vmem>>) dst(%dma_wait3A_78 : memref<64x1024xf32, #tpu.memory_space<hbm>>)
    %dma_wait3A_79 = arith.constant 2 : i32
    %dma_wait3A_80 = arith.constant 0 : i32
    %dma_wait3A_81 = tpu.memref_slice %arg7[%dma_wait3A_79, %mul3A_2, %dma_wait3A_80] : memref<8x2048x1024xf32, #tpu.memory_space<hbm>> -> memref<1x64x1024xf32, #tpu.memory_space<hbm>>
    %dma_wait3A_82 = tpu.memref_squeeze %dma_wait3A_81 : memref<1x64x1024xf32, #tpu.memory_space<hbm>> -> memref<64x1024xf32, #tpu.memory_space<hbm>>
    %dma_wait3A_83 = arith.constant 0 : i32
    %dma_wait3A_84 = tpu.memref_slice %arg7[%dma_wait3A_79, %mul3A_2, %dma_wait3A_83] : memref<8x2048x1024xf32, #tpu.memory_space<hbm>> -> memref<1x64x1024xf32, #tpu.memory_space<hbm>>
    %dma_wait3A_85 = tpu.memref_squeeze %dma_wait3A_84 : memref<1x64x1024xf32, #tpu.memory_space<hbm>> -> memref<64x1024xf32, #tpu.memory_space<hbm>>
    tpu.wait_dma2 semaphore(%arg12 : memref<!tpu.dma_semaphore, #tpu.memory_space<semaphore_mem>>) src(%arg9 : memref<64x1024xf32, #tpu.memory_space<vmem>>) dst(%dma_wait3A_85 : memref<64x1024xf32, #tpu.memory_space<hbm>>)
    %dma_wait3A_86 = arith.constant 3 : i32
    %dma_wait3A_87 = arith.constant 0 : i32
    %dma_wait3A_88 = tpu.memref_slice %arg7[%dma_wait3A_86, %mul3A_2, %dma_wait3A_87] : memref<8x2048x1024xf32, #tpu.memory_space<hbm>> -> memref<1x64x1024xf32, #tpu.memory_space<hbm>>
    %dma_wait3A_89 = tpu.memref_squeeze %dma_wait3A_88 : memref<1x64x1024xf32, #tpu.memory_space<hbm>> -> memref<64x1024xf32, #tpu.memory_space<hbm>>
    %dma_wait3A_90 = arith.constant 0 : i32
    %dma_wait3A_91 = tpu.memref_slice %arg7[%dma_wait3A_86, %mul3A_2, %dma_wait3A_90] : memref<8x2048x1024xf32, #tpu.memory_space<hbm>> -> memref<1x64x1024xf32, #tpu.memory_space<hbm>>
    %dma_wait3A_92 = tpu.memref_squeeze %dma_wait3A_91 : memref<1x64x1024xf32, #tpu.memory_space<hbm>> -> memref<64x1024xf32, #tpu.memory_space<hbm>>
    tpu.wait_dma2 semaphore(%arg12 : memref<!tpu.dma_semaphore, #tpu.memory_space<semaphore_mem>>) src(%arg9 : memref<64x1024xf32, #tpu.memory_space<vmem>>) dst(%dma_wait3A_92 : memref<64x1024xf32, #tpu.memory_space<hbm>>)
    %dma_wait3A_93 = arith.constant 4 : i32
    %dma_wait3A_94 = arith.constant 0 : i32
    %dma_wait3A_95 = tpu.memref_slice %arg7[%dma_wait3A_93, %mul3A_2, %dma_wait3A_94] : memref<8x2048x1024xf32, #tpu.memory_space<hbm>> -> memref<1x64x1024xf32, #tpu.memory_space<hbm>>
    %dma_wait3A_96 = tpu.memref_squeeze %dma_wait3A_95 : memref<1x64x1024xf32, #tpu.memory_space<hbm>> -> memref<64x1024xf32, #tpu.memory_space<hbm>>
    %dma_wait3A_97 = arith.constant 0 : i32
    %dma_wait3A_98 = tpu.memref_slice %arg7[%dma_wait3A_93, %mul3A_2, %dma_wait3A_97] : memref<8x2048x1024xf32, #tpu.memory_space<hbm>> -> memref<1x64x1024xf32, #tpu.memory_space<hbm>>
    %dma_wait3A_99 = tpu.memref_squeeze %dma_wait3A_98 : memref<1x64x1024xf32, #tpu.memory_space<hbm>> -> memref<64x1024xf32, #tpu.memory_space<hbm>>
    tpu.wait_dma2 semaphore(%arg12 : memref<!tpu.dma_semaphore, #tpu.memory_space<semaphore_mem>>) src(%arg9 : memref<64x1024xf32, #tpu.memory_space<vmem>>) dst(%dma_wait3A_99 : memref<64x1024xf32, #tpu.memory_space<hbm>>)
    %dma_wait3A_100 = arith.constant 5 : i32
    %dma_wait3A_101 = arith.constant 0 : i32
    %dma_wait3A_102 = tpu.memref_slice %arg7[%dma_wait3A_100, %mul3A_2, %dma_wait3A_101] : memref<8x2048x1024xf32, #tpu.memory_space<hbm>> -> memref<1x64x1024xf32, #tpu.memory_space<hbm>>
    %dma_wait3A_103 = tpu.memref_squeeze %dma_wait3A_102 : memref<1x64x1024xf32, #tpu.memory_space<hbm>> -> memref<64x1024xf32, #tpu.memory_space<hbm>>
    %dma_wait3A_104 = arith.constant 0 : i32
    %dma_wait3A_105 = tpu.memref_slice %arg7[%dma_wait3A_100, %mul3A_2, %dma_wait3A_104] : memref<8x2048x1024xf32, #tpu.memory_space<hbm>> -> memref<1x64x1024xf32, #tpu.memory_space<hbm>>
    %dma_wait3A_106 = tpu.memref_squeeze %dma_wait3A_105 : memref<1x64x1024xf32, #tpu.memory_space<hbm>> -> memref<64x1024xf32, #tpu.memory_space<hbm>>
    tpu.wait_dma2 semaphore(%arg12 : memref<!tpu.dma_semaphore, #tpu.memory_space<semaphore_mem>>) src(%arg9 : memref<64x1024xf32, #tpu.memory_space<vmem>>) dst(%dma_wait3A_106 : memref<64x1024xf32, #tpu.memory_space<hbm>>)
    %dma_wait3A_107 = arith.constant 6 : i32
    %dma_wait3A_108 = arith.constant 0 : i32
    %dma_wait3A_109 = tpu.memref_slice %arg7[%dma_wait3A_107, %mul3A_2, %dma_wait3A_108] : memref<8x2048x1024xf32, #tpu.memory_space<hbm>> -> memref<1x64x1024xf32, #tpu.memory_space<hbm>>
    %dma_wait3A_110 = tpu.memref_squeeze %dma_wait3A_109 : memref<1x64x1024xf32, #tpu.memory_space<hbm>> -> memref<64x1024xf32, #tpu.memory_space<hbm>>
    %dma_wait3A_111 = arith.constant 0 : i32
    %dma_wait3A_112 = tpu.memref_slice %arg7[%dma_wait3A_107, %mul3A_2, %dma_wait3A_111] : memref<8x2048x1024xf32, #tpu.memory_space<hbm>> -> memref<1x64x1024xf32, #tpu.memory_space<hbm>>
    %dma_wait3A_113 = tpu.memref_squeeze %dma_wait3A_112 : memref<1x64x1024xf32, #tpu.memory_space<hbm>> -> memref<64x1024xf32, #tpu.memory_space<hbm>>
    tpu.wait_dma2 semaphore(%arg12 : memref<!tpu.dma_semaphore, #tpu.memory_space<semaphore_mem>>) src(%arg9 : memref<64x1024xf32, #tpu.memory_space<vmem>>) dst(%dma_wait3A_113 : memref<64x1024xf32, #tpu.memory_space<hbm>>)
    %dma_wait3A_114 = arith.constant 7 : i32
    %dma_wait3A_115 = arith.constant 0 : i32
    %dma_wait3A_116 = tpu.memref_slice %arg7[%dma_wait3A_114, %mul3A_2, %dma_wait3A_115] : memref<8x2048x1024xf32, #tpu.memory_space<hbm>> -> memref<1x64x1024xf32, #tpu.memory_space<hbm>>
    %dma_wait3A_117 = tpu.memref_squeeze %dma_wait3A_116 : memref<1x64x1024xf32, #tpu.memory_space<hbm>> -> memref<64x1024xf32, #tpu.memory_space<hbm>>
    %dma_wait3A_118 = arith.constant 0 : i32
    %dma_wait3A_119 = tpu.memref_slice %arg7[%dma_wait3A_114, %mul3A_2, %dma_wait3A_118] : memref<8x2048x1024xf32, #tpu.memory_space<hbm>> -> memref<1x64x1024xf32, #tpu.memory_space<hbm>>
    %dma_wait3A_120 = tpu.memref_squeeze %dma_wait3A_119 : memref<1x64x1024xf32, #tpu.memory_space<hbm>> -> memref<64x1024xf32, #tpu.memory_space<hbm>>
    tpu.wait_dma2 semaphore(%arg12 : memref<!tpu.dma_semaphore, #tpu.memory_space<semaphore_mem>>) src(%arg9 : memref<64x1024xf32, #tpu.memory_space<vmem>>) dst(%dma_wait3A_120 : memref<64x1024xf32, #tpu.memory_space<hbm>>)
    return
  }
}

module attributes {stable_mosaic.version = 14 : i64} {
  func.func @body(%arg0: i32, %arg1: i32, %arg2: memref<2048xi32, #tpu.memory_space<smem>>, %arg3: memref<2056x1024xf32, #tpu.memory_space<vmem>>, %arg4: memref<1x128x1024xf32, #tpu.memory_space<vmem>>, %arg5: memref<128x1024xf32, #tpu.memory_space<vmem>>) attributes {dimension_semantics = [#tpu.dimension_semantics<arbitrary>, #tpu.dimension_semantics<arbitrary>], iteration_bounds = array<i64: 16, 8>, scalar_prefetch = 0 : i64, scratch_operands = 1 : i64, tpu.core_type = #tpu.core_type<tc>, window_params = [{transform_indices = @transform_0, window_bounds = array<i64: 2048>}, {pipeline_mode = #tpu.pipeline_mode<synchronous>, transform_indices = @transform_1, window_bounds = array<i64: 2056, 1024>}, {transform_indices = @transform_2, window_bounds = array<i64: 1, 128, 1024>}]} {
    %eq3A = arith.constant 0 : i32
    %eq3A_0 = arith.cmpi eq, %arg1, %eq3A : i32
    %convert_element_type3A = arith.extui %eq3A_0 : i1 to i32
    %cond3A = arith.constant 0 : i32
    %cond3A_1 = arith.cmpi ne, %convert_element_type3A, %cond3A : i32
    scf.if %cond3A_1 {
      %scan3A = arith.constant 0 : i32
      %scan3A_9 = arith.constant 128 : i32
      %scan3A_10 = arith.addi %scan3A, %scan3A_9 : i32
      %scan3A_11 = arith.constant 8 : i32
      scf.for %scan3A_13 = %scan3A to %scan3A_10 step %scan3A_11  : i32 {
        %mul3A = arith.constant 128 : i32
        %mul3A_14 = arith.muli %arg0, %mul3A : i32
        %add3A = arith.addi %mul3A_14, %scan3A_13 : i32
        %get3A_15 = arith.index_cast %add3A : i32 to index
        %get3A_16 = memref.load %arg2[%get3A_15] : memref<2048xi32, #tpu.memory_space<smem>>
        %get3A_17 = arith.index_cast %get3A_16 : i32 to index
        %get3A_18 = arith.constant 0 : index
        %get3A_19 = vector.load %arg3[%get3A_17, %get3A_18] : memref<2056x1024xf32, #tpu.memory_space<vmem>>, vector<1x1024xf32>
        %get3A_20 = vector.shape_cast %get3A_19 : vector<1x1024xf32> to vector<1024xf32>
        %swap3A_21 = arith.index_cast %scan3A_13 : i32 to index
        %swap3A_22 = arith.constant 0 : index
        %swap3A_23 = vector.load %arg5[%swap3A_21, %swap3A_22] : memref<128x1024xf32, #tpu.memory_space<vmem>>, vector<1x1024xf32>
        %swap3A_24 = vector.shape_cast %swap3A_23 : vector<1x1024xf32> to vector<1024xf32>
        %swap3A_25 = vector.shape_cast %get3A_20 : vector<1024xf32> to vector<1x1024xf32>
        tpu.vector_store %arg5[%swap3A_21, %swap3A_22], %swap3A_25 {strides = array<i32>} : memref<128x1024xf32, #tpu.memory_space<vmem>>, vector<1x1024xf32>,
        %scan3A_26 = arith.constant 1 : i32
        %scan3A_27 = arith.addi %scan3A_13, %scan3A_26 : i32
        %mul3A_28 = arith.constant 128 : i32
        %mul3A_29 = arith.muli %arg0, %mul3A_28 : i32
        %add3A_30 = arith.addi %mul3A_29, %scan3A_27 : i32
        %get3A_31 = arith.index_cast %add3A_30 : i32 to index
        %get3A_32 = memref.load %arg2[%get3A_31] : memref<2048xi32, #tpu.memory_space<smem>>
        %get3A_33 = arith.index_cast %get3A_32 : i32 to index
        %get3A_34 = arith.constant 0 : index
        %get3A_35 = vector.load %arg3[%get3A_33, %get3A_34] : memref<2056x1024xf32, #tpu.memory_space<vmem>>, vector<1x1024xf32>
        %get3A_36 = vector.shape_cast %get3A_35 : vector<1x1024xf32> to vector<1024xf32>
        %swap3A_37 = arith.index_cast %scan3A_27 : i32 to index
        %swap3A_38 = arith.constant 0 : index
        %swap3A_39 = vector.load %arg5[%swap3A_37, %swap3A_38] : memref<128x1024xf32, #tpu.memory_space<vmem>>, vector<1x1024xf32>
        %swap3A_40 = vector.shape_cast %swap3A_39 : vector<1x1024xf32> to vector<1024xf32>
        %swap3A_41 = vector.shape_cast %get3A_36 : vector<1024xf32> to vector<1x1024xf32>
        tpu.vector_store %arg5[%swap3A_37, %swap3A_38], %swap3A_41 {strides = array<i32>} : memref<128x1024xf32, #tpu.memory_space<vmem>>, vector<1x1024xf32>,
        %scan3A_42 = arith.constant 2 : i32
        %scan3A_43 = arith.addi %scan3A_13, %scan3A_42 : i32
        %mul3A_44 = arith.constant 128 : i32
        %mul3A_45 = arith.muli %arg0, %mul3A_44 : i32
        %add3A_46 = arith.addi %mul3A_45, %scan3A_43 : i32
        %get3A_47 = arith.index_cast %add3A_46 : i32 to index
        %get3A_48 = memref.load %arg2[%get3A_47] : memref<2048xi32, #tpu.memory_space<smem>>
        %get3A_49 = arith.index_cast %get3A_48 : i32 to index
        %get3A_50 = arith.constant 0 : index
        %get3A_51 = vector.load %arg3[%get3A_49, %get3A_50] : memref<2056x1024xf32, #tpu.memory_space<vmem>>, vector<1x1024xf32>
        %get3A_52 = vector.shape_cast %get3A_51 : vector<1x1024xf32> to vector<1024xf32>
        %swap3A_53 = arith.index_cast %scan3A_43 : i32 to index
        %swap3A_54 = arith.constant 0 : index
        %swap3A_55 = vector.load %arg5[%swap3A_53, %swap3A_54] : memref<128x1024xf32, #tpu.memory_space<vmem>>, vector<1x1024xf32>
        %swap3A_56 = vector.shape_cast %swap3A_55 : vector<1x1024xf32> to vector<1024xf32>
        %swap3A_57 = vector.shape_cast %get3A_52 : vector<1024xf32> to vector<1x1024xf32>
        tpu.vector_store %arg5[%swap3A_53, %swap3A_54], %swap3A_57 {strides = array<i32>} : memref<128x1024xf32, #tpu.memory_space<vmem>>, vector<1x1024xf32>,
        %scan3A_58 = arith.constant 3 : i32
        %scan3A_59 = arith.addi %scan3A_13, %scan3A_58 : i32
        %mul3A_60 = arith.constant 128 : i32
        %mul3A_61 = arith.muli %arg0, %mul3A_60 : i32
        %add3A_62 = arith.addi %mul3A_61, %scan3A_59 : i32
        %get3A_63 = arith.index_cast %add3A_62 : i32 to index
        %get3A_64 = memref.load %arg2[%get3A_63] : memref<2048xi32, #tpu.memory_space<smem>>
        %get3A_65 = arith.index_cast %get3A_64 : i32 to index
        %get3A_66 = arith.constant 0 : index
        %get3A_67 = vector.load %arg3[%get3A_65, %get3A_66] : memref<2056x1024xf32, #tpu.memory_space<vmem>>, vector<1x1024xf32>
        %get3A_68 = vector.shape_cast %get3A_67 : vector<1x1024xf32> to vector<1024xf32>
        %swap3A_69 = arith.index_cast %scan3A_59 : i32 to index
        %swap3A_70 = arith.constant 0 : index
        %swap3A_71 = vector.load %arg5[%swap3A_69, %swap3A_70] : memref<128x1024xf32, #tpu.memory_space<vmem>>, vector<1x1024xf32>
        %swap3A_72 = vector.shape_cast %swap3A_71 : vector<1x1024xf32> to vector<1024xf32>
        %swap3A_73 = vector.shape_cast %get3A_68 : vector<1024xf32> to vector<1x1024xf32>
        tpu.vector_store %arg5[%swap3A_69, %swap3A_70], %swap3A_73 {strides = array<i32>} : memref<128x1024xf32, #tpu.memory_space<vmem>>, vector<1x1024xf32>,
        %scan3A_74 = arith.constant 4 : i32
        %scan3A_75 = arith.addi %scan3A_13, %scan3A_74 : i32
        %mul3A_76 = arith.constant 128 : i32
        %mul3A_77 = arith.muli %arg0, %mul3A_76 : i32
        %add3A_78 = arith.addi %mul3A_77, %scan3A_75 : i32
        %get3A_79 = arith.index_cast %add3A_78 : i32 to index
        %get3A_80 = memref.load %arg2[%get3A_79] : memref<2048xi32, #tpu.memory_space<smem>>
        %get3A_81 = arith.index_cast %get3A_80 : i32 to index
        %get3A_82 = arith.constant 0 : index
        %get3A_83 = vector.load %arg3[%get3A_81, %get3A_82] : memref<2056x1024xf32, #tpu.memory_space<vmem>>, vector<1x1024xf32>
        %get3A_84 = vector.shape_cast %get3A_83 : vector<1x1024xf32> to vector<1024xf32>
        %swap3A_85 = arith.index_cast %scan3A_75 : i32 to index
        %swap3A_86 = arith.constant 0 : index
        %swap3A_87 = vector.load %arg5[%swap3A_85, %swap3A_86] : memref<128x1024xf32, #tpu.memory_space<vmem>>, vector<1x1024xf32>
        %swap3A_88 = vector.shape_cast %swap3A_87 : vector<1x1024xf32> to vector<1024xf32>
        %swap3A_89 = vector.shape_cast %get3A_84 : vector<1024xf32> to vector<1x1024xf32>
        tpu.vector_store %arg5[%swap3A_85, %swap3A_86], %swap3A_89 {strides = array<i32>} : memref<128x1024xf32, #tpu.memory_space<vmem>>, vector<1x1024xf32>,
        %scan3A_90 = arith.constant 5 : i32
        %scan3A_91 = arith.addi %scan3A_13, %scan3A_90 : i32
        %mul3A_92 = arith.constant 128 : i32
        %mul3A_93 = arith.muli %arg0, %mul3A_92 : i32
        %add3A_94 = arith.addi %mul3A_93, %scan3A_91 : i32
        %get3A_95 = arith.index_cast %add3A_94 : i32 to index
        %get3A_96 = memref.load %arg2[%get3A_95] : memref<2048xi32, #tpu.memory_space<smem>>
        %get3A_97 = arith.index_cast %get3A_96 : i32 to index
        %get3A_98 = arith.constant 0 : index
        %get3A_99 = vector.load %arg3[%get3A_97, %get3A_98] : memref<2056x1024xf32, #tpu.memory_space<vmem>>, vector<1x1024xf32>
        %get3A_100 = vector.shape_cast %get3A_99 : vector<1x1024xf32> to vector<1024xf32>
        %swap3A_101 = arith.index_cast %scan3A_91 : i32 to index
        %swap3A_102 = arith.constant 0 : index
        %swap3A_103 = vector.load %arg5[%swap3A_101, %swap3A_102] : memref<128x1024xf32, #tpu.memory_space<vmem>>, vector<1x1024xf32>
        %swap3A_104 = vector.shape_cast %swap3A_103 : vector<1x1024xf32> to vector<1024xf32>
        %swap3A_105 = vector.shape_cast %get3A_100 : vector<1024xf32> to vector<1x1024xf32>
        tpu.vector_store %arg5[%swap3A_101, %swap3A_102], %swap3A_105 {strides = array<i32>} : memref<128x1024xf32, #tpu.memory_space<vmem>>, vector<1x1024xf32>,
        %scan3A_106 = arith.constant 6 : i32
        %scan3A_107 = arith.addi %scan3A_13, %scan3A_106 : i32
        %mul3A_108 = arith.constant 128 : i32
        %mul3A_109 = arith.muli %arg0, %mul3A_108 : i32
        %add3A_110 = arith.addi %mul3A_109, %scan3A_107 : i32
        %get3A_111 = arith.index_cast %add3A_110 : i32 to index
        %get3A_112 = memref.load %arg2[%get3A_111] : memref<2048xi32, #tpu.memory_space<smem>>
        %get3A_113 = arith.index_cast %get3A_112 : i32 to index
        %get3A_114 = arith.constant 0 : index
        %get3A_115 = vector.load %arg3[%get3A_113, %get3A_114] : memref<2056x1024xf32, #tpu.memory_space<vmem>>, vector<1x1024xf32>
        %get3A_116 = vector.shape_cast %get3A_115 : vector<1x1024xf32> to vector<1024xf32>
        %swap3A_117 = arith.index_cast %scan3A_107 : i32 to index
        %swap3A_118 = arith.constant 0 : index
        %swap3A_119 = vector.load %arg5[%swap3A_117, %swap3A_118] : memref<128x1024xf32, #tpu.memory_space<vmem>>, vector<1x1024xf32>
        %swap3A_120 = vector.shape_cast %swap3A_119 : vector<1x1024xf32> to vector<1024xf32>
        %swap3A_121 = vector.shape_cast %get3A_116 : vector<1024xf32> to vector<1x1024xf32>
        tpu.vector_store %arg5[%swap3A_117, %swap3A_118], %swap3A_121 {strides = array<i32>} : memref<128x1024xf32, #tpu.memory_space<vmem>>, vector<1x1024xf32>,
        %scan3A_122 = arith.constant 7 : i32
        %scan3A_123 = arith.addi %scan3A_13, %scan3A_122 : i32
        %mul3A_124 = arith.constant 128 : i32
        %mul3A_125 = arith.muli %arg0, %mul3A_124 : i32
        %add3A_126 = arith.addi %mul3A_125, %scan3A_123 : i32
        %get3A_127 = arith.index_cast %add3A_126 : i32 to index
        %get3A_128 = memref.load %arg2[%get3A_127] : memref<2048xi32, #tpu.memory_space<smem>>
        %get3A_129 = arith.index_cast %get3A_128 : i32 to index
        %get3A_130 = arith.constant 0 : index
        %get3A_131 = vector.load %arg3[%get3A_129, %get3A_130] : memref<2056x1024xf32, #tpu.memory_space<vmem>>, vector<1x1024xf32>
        %get3A_132 = vector.shape_cast %get3A_131 : vector<1x1024xf32> to vector<1024xf32>
        %swap3A_133 = arith.index_cast %scan3A_123 : i32 to index
        %swap3A_134 = arith.constant 0 : index
        %swap3A_135 = vector.load %arg5[%swap3A_133, %swap3A_134] : memref<128x1024xf32, #tpu.memory_space<vmem>>, vector<1x1024xf32>
        %swap3A_136 = vector.shape_cast %swap3A_135 : vector<1x1024xf32> to vector<1024xf32>
        %swap3A_137 = vector.shape_cast %get3A_132 : vector<1024xf32> to vector<1x1024xf32>
        tpu.vector_store %arg5[%swap3A_133, %swap3A_134], %swap3A_137 {strides = array<i32>} : memref<128x1024xf32, #tpu.memory_space<vmem>>, vector<1x1024xf32>,
      }
      %scan3A_12 = arith.constant 128 : i32
    } else {
    }
    %get3A = arith.constant 0 : index
    %get3A_2 = arith.constant 0 : index
    %get3A_3 = vector.load %arg5[%get3A, %get3A_2] : memref<128x1024xf32, #tpu.memory_space<vmem>>, vector<128x1024xf32>
    %swap3A = arith.constant 0 : index
    %swap3A_4 = arith.constant 0 : index
    %swap3A_5 = arith.constant 0 : index
    %swap3A_6 = vector.load %arg4[%swap3A, %swap3A_4, %swap3A_5] : memref<1x128x1024xf32, #tpu.memory_space<vmem>>, vector<1x128x1024xf32>
    %swap3A_7 = vector.shape_cast %swap3A_6 : vector<1x128x1024xf32> to vector<128x1024xf32>
    %swap3A_8 = vector.shape_cast %get3A_3 : vector<128x1024xf32> to vector<1x128x1024xf32>
    tpu.vector_store %arg4[%swap3A, %swap3A_4, %swap3A_5], %swap3A_8 {strides = array<i32>} : memref<1x128x1024xf32, #tpu.memory_space<vmem>>, vector<1x128x1024xf32>,
    return
  }
  func.func @transform_0(%arg0: i32, %arg1: i32) -> i32 {
    %c0_i32 = arith.constant 0 : i32
    %c0_i32_0 = arith.constant 0 : i32
    return %c0_i32 : i32
  }
  func.func @transform_1(%arg0: i32, %arg1: i32) -> (i32, i32) {
    %c0_i32 = arith.constant 0 : i32
    %c0_i32_0 = arith.constant 0 : i32
    %c0_i32_1 = arith.constant 0 : i32
    return %c0_i32, %c0_i32_0 : i32, i32
  }
  func.func @transform_2(%arg0: i32, %arg1: i32) -> (i32, i32, i32) {
    %c0_i32 = arith.constant 0 : i32
    %c0_i32_0 = arith.constant 0 : i32
    return %arg1, %arg0, %c0_i32 : i32, i32, i32
  }
}

</mosaic_0001>

<sc_bundles>
// kernel: kernel.4.cloned.1.call-start
scs
__scs_entry_jumppad:
0x0: {  	(pc) =	sbr.rel $0x88, $3  }
0x1: {  	(tag) =	ssettag $0x0;
	lr =	simm.s32 $0x1  }
0x2: {  	[smem:$0x3F9E] =	sst lr;
	_ =	strace $0xD0000000  }
0x3: {  	_ = 	snop  }
0x4: {  	_ = 	snop  }
0x5: {  	_ = 	snop  }
0x6: {  	_ = 	snop  }
0x7: {  	_ = 	snop  }
__scs_overlays_trampoline_lowered:
0x8: {  	[smem:$0x3FAD] =	sst s0  }
0x9: {  	[smem:$0x3FAE] =	sst s1  }
0xa: {  	[smem:$0x3FAF] =	sst s2  }
0xb: {  	[smem:$0x3FB0] =	sst s3  }
0xc: {  	[smem:$0x3FB1] =	sst s4  }
0xd: {  	[smem:$0x3FB2] =	sst s5  }
0xe: {  	[smem:$0x3FB3] =	sst s6  }
0xf: {  	[smem:$0x3FB4] =	sst s7  }
0x10: {  	[smem:$0x3FB5] =	sst s8  }
0x11: {  	[smem:$0x3FB6] =	sst s9;
	s0 =	simm.s32 @!p0 $0x0  }
0x12: {  	s1 =	sld [smem:$0x3F9C];
	s0 =	simm.s32 @p0 $0x1  }
0x13: {  	[smem:$0x3FB7] =	sst s0;
	s0 =	simm.s32 @!p1 $0x0  }
0x14: {  	s2 =	sld [smem:$0x3F9B];
	s0 =	simm.s32 @p1 $0x1  }
0x15: {  	[smem:$0x3FB8] =	sst s0;
	s0 =	simm.s32 @!p2 $0x0  }
0x16: {  	s3 =	sld [smem:$0x3FDB];
	s0 =	simm.s32 @p2 $0x1  }
0x17: {  	s4 =	simm.s32 $0x1BF5;
	[smem:$0x3FBA] =	sst s0  }
0x18: {  	s0 =	sld [smem:$0x3F9D];
	_ =	swait.ge [sflag:s4], $0x0  }
0x19: {  	s7 =	sld [smem:$0x3F9E]  }
0x1a: {  	s8 =	sadd.s32 $0xFFFFE003, lr  }
0x1b: {  	s9 =	sadd.s32 $0xFFFFFEF7, lr;
	s5 =	simm.s32 $0xFFFFFFFF;
	p2 =	slt.u32 s8, $0xFFFFF086  }
0x1c: {  	p1 =	slt.u32 s9, $0xF7A;
	s5 =	simm.s32 @!p2 $0x0  }
0x1d: {  	s5 =	simm.s32 @p1 $0x1;
	p0 =	seq.s32 s7, s2  }
0x1e: {  	s7 =	smul.u32 @!p0 $0xF7A, s2;
	p2 =	seq.s32 @!p0 s5, $0x0  }
0x1f: {  	s9 =	smul.u32 $0xF7A, s1;
	s8 =	simm.s32 @!p0 $0x1BF5;
	p2 =	por !p2, p0  }
0x20: {  	[sflag:s8] =	ssyncset.s32 @!p0 $0xFFFFF086;
	s6 =	sadd.s32 @!p0 s3, s7;
	s7 =	simm.s32 @!p0 $0x108  }
0x21: {  	s3 =	sadd.s32 s3, s9;
	s6 =	sadd.s32 @!p0 $0x88, s6;
	s7 =	simm.s32 @p2 $0x1082  }
0x22: {  	[simem:s7], [sflag:s8] =	dma.local @!p0 [hbm:s6], $0xF7A  }
0x23: {  	s9 =	sor.u32 $0xD0000000, s2;
	s6 =	simm.s32 $0x108;
	_ =	swait.ge @!p0 [sflag:s8], $0x0  }
0x24: {  	s3 =	sadd.s32 $0x88, s3;
	s6 =	simm.s32 @!p1 $0x1082;
	[sflag:s4] =	ssyncset.s32 $0xFFFFF086  }
0x25: {  	[simem:s6], [sflag:s4] =	dma.local [hbm:s3], $0xF7A  }
0x26: {  	[smem:$0x3F9E] =	sst s1;
	(tag) =	ssettag s2;
	_ =	strace s9  }
0x27: {  	s1 =	sld [smem:$0x3FAE]  }
0x28: {  	s2 =	sld [smem:$0x3FAF]  }
0x29: {  	s4 =	sld [smem:$0x3FB1]  }
0x2a: {  	p0 =	seq.s32 s5, $0x0;
	s5 =	sld [smem:$0x3FB2]  }
0x2b: {  	s6 =	sld [smem:$0x3FB3]  }
0x2c: {  	s7 =	sld [smem:$0x3FB4]  }
0x2d: {  	s3 =	simm.s32 $0x108;
	s8 =	sld [smem:$0x3FB5]  }
0x2e: {  	s3 =	simm.s32 @!p0 $0x1082;
	s9 =	sld [smem:$0x3FB6]  }
0x2f: {  	lr =	sadd.s32 s0, s3;
	s0 =	sld [smem:$0x3FAD]  }
0x30: {  	s3 =	sld [smem:$0x3FB0]  }
0x31: {  	[smem:$0x3FB9] =	sst s10  }
0x32: {  	s10 =	sld [smem:$0x3FB7];
	_ =	sdelay $0x3  }
0x33: {  	p0 =	seq.s32 s10, $0x1;
	s10 =	sld [smem:$0x3FB9];
	_ =	sdelay $0x3  }
0x34: {  	[smem:$0x3FB9] =	sst s10  }
0x35: {  	s10 =	sld [smem:$0x3FB8];
	_ =	sdelay $0x3  }
0x36: {  	p1 =	seq.s32 s10, $0x1;
	s10 =	sld [smem:$0x3FB9];
	_ =	sdelay $0x3  }
0x37: {  	[smem:$0x3FB9] =	sst s10  }
0x38: {  	s10 =	sld [smem:$0x3FBA]  }
0x39: {  	_ = 	snop;
	(pc) =	sbr.ind lr, $3  }
0x3a: {  	_ = 	snop  }
0x3b: {  	_ = 	snop  }
0x3c: {  	p2 =	seq.s32 s10, $0x1;
	s10 =	sld [smem:$0x3FB9]  }
0x3d: {  	_ =	shalt  }
0x3e: {  	_ =	shalt  }
0x3f: {  	_ =	shalt  }
0x40: {  	_ =	shalt  }
0x41: {  	_ =	shalt  }
0x42: {  	_ =	shalt  }
0x43: {  	_ =	shalt  }
0x44: {  	_ =	shalt  }
0x45: {  	_ =	shalt  }
0x46: {  	_ =	shalt  }
0x47: {  	_ =	shalt  }
0x48: {  	_ =	shalt  }
0x49: {  	_ =	shalt  }
0x4a: {  	_ =	shalt  }
0x4b: {  	_ =	shalt  }
0x4c: {  	_ =	shalt  }
0x4d: {  	_ =	shalt  }
0x4e: {  	_ =	shalt  }
0x4f: {  	_ =	shalt  }
0x50: {  	_ =	shalt  }
0x51: {  	_ =	shalt  }
0x52: {  	_ =	shalt  }
0x53: {  	_ =	shalt  }
0x54: {  	_ =	shalt  }
0x55: {  	_ =	shalt  }
0x56: {  	_ =	shalt  }
0x57: {  	_ =	shalt  }
0x58: {  	_ =	shalt  }
0x59: {  	_ =	shalt  }
0x5a: {  	_ =	shalt  }
0x5b: {  	_ =	shalt  }
0x5c: {  	_ =	shalt  }
0x5d: {  	_ =	shalt  }
0x5e: {  	_ =	shalt  }
0x5f: {  	_ =	shalt  }
0x60: {  	_ =	shalt  }
0x61: {  	_ =	shalt  }
0x62: {  	_ =	shalt  }
0x63: {  	_ =	shalt  }
0x64: {  	_ =	shalt  }
0x65: {  	_ =	shalt  }
0x66: {  	_ =	shalt  }
0x67: {  	_ =	shalt  }
0x68: {  	_ =	shalt  }
0x69: {  	_ =	shalt  }
0x6a: {  	_ =	shalt  }
0x6b: {  	_ =	shalt  }
0x6c: {  	_ =	shalt  }
0x6d: {  	_ =	shalt  }
0x6e: {  	_ =	shalt  }
0x6f: {  	_ =	shalt  }
0x70: {  	_ =	shalt  }
0x71: {  	_ =	shalt  }
0x72: {  	_ =	shalt  }
0x73: {  	_ =	shalt  }
0x74: {  	_ =	shalt  }
0x75: {  	_ =	shalt  }
0x76: {  	_ =	shalt  }
0x77: {  	_ =	shalt  }
0x78: {  	_ =	shalt  }
0x79: {  	_ =	shalt  }
0x7a: {  	_ =	shalt  }
0x7b: {  	_ =	shalt  }
0x7c: {  	_ =	shalt  }
0x7d: {  	_ =	shalt  }
0x7e: {  	_ =	shalt  }
0x7f: {  	_ =	shalt  }
0x80: {  	_ =	shalt  }
0x81: {  	_ =	shalt  }
0x82: {  	_ =	shalt  }
0x83: {  	_ =	shalt  }
0x84: {  	_ =	shalt  }
0x85: {  	_ =	shalt  }
0x86: {  	_ =	shalt  }
0x87: {  	_ =	shalt  }
.Lfunc_end0:
.L_simem_size_0:
called_computation_lowered:
.L_overlay_start_0:
0x88: {  	s2 =	sld [smem:$0x3FD9]  }
0x89: {  	s3 =	sld [smem:$0x3FFE];
	_ =	sdelay $0x1  }
0x8a: {  	s1 =	srdreg.scid  }
0x8b: {  	s0 =	sand.u32 $0x1, s1  }
0x8c: {  	s14 =	sshll.u32 s0, $0xA;
	s2 =	sadd.s32 s3, s2  }
0x8d: {  	s2 =	sadd.s32 s2, s14  }
0x8e: {  	[smem:$0x3FC5] =	sst s2  }
0x8f: {  	_ = 	snop  }
0x90: {  	s2 =	sld [smem:$0x3FD0];
	_ =	sdelay $0x1  }
0x91: {  	s15 =	sld [smem:$0x3FC9]  }
0x92: {  	s5 =	simm.s32 $0xA;
	s6 =	simm.s32 $0x10;
	s4 =	sld [smem:$0x3FC8]  }
0x93: {  	[smem:s6], [sflag:s5] =	dma.local [hbm:s2], $0x1  }
0x94: {  	_ =	swait.eq [sflag:s5], $0x1  }
0x95: {  	[sflag:s5] =	ssyncset.done $0x0  }
0x96: {  	s16 =	sld [smem:$0x10];
	[sflag:s5] =	ssyncadd.s32 $0xFFFFFFFF  }
0x97: {  	s17 =	sld [smem:$0x11];
	(tm) =	ssettm $0x1  }
0x98: {  	s18 =	sld [smem:$0x3FFB];
	_ =	sdelay $0x3  }
0x99: {  	_ =	strace s18  }
0x9a: {  	s6 =	sld [smem:$0x3FFC];
	_ =	sdelay $0x3  }
0x9b: {  	_ =	strace s6  }
0x9c: {  	s6 =	sld [smem:$0x3FFD];
	_ =	sdelay $0x3  }
0x9d: {  	_ =	strace s6  }
0x9e: {  	_ =	strace $0x8FFFFFFF  }
0x9f: {  	s19 =	sld [smem:$0x3FDB];
	_ =	sdelay $0x1  }
0xa0: {  	s7 =	simm.s32 $_scs_section_size  }
0xa1: {  	s8 =	simm.s32 $_size__tile_overlayer_lowered;
	s9 =	simm.s32 $_tile_overlayer_lowered  }
0xa2: {  	s22 =	simm.s32 $0x1BFF;
	s21 =	sshll.u32 s9, $0x1;
	s6 =	sadd.s32 s7, s19  }
0xa3: {  	s10 =	simm.s32 $0x0;
	s20 =	sshll.u32 s8, $0x1;
	s8 =	sadd.s32 s21, s6  }
0xa4: {  	[timem:s10], [sflag:s22] =	dma.local [hbm:s8], s20  }
0xa5: {  	_ =	swait.ge [sflag:s22], s20  }
0xa6: {  	s7 =	ssub.s32 $0x0, s20;
	[sflag:s22] =	ssyncset.done $0x0  }
0xa7: {  	[sflag:s22] =	ssyncadd.s32 s7;
	_ =	sdelay $0x1  }
0xa8: {  	s23 =	simm.s32 $0x1B8B  }
0xa9: {  	_ =	swait.ge [sflag:s23], $0x1  }
0xaa: {  	[sflag:s23] =	ssyncset.done $0x0  }
0xab: {  	s25 =	simm.s32 $0x1B8E;
	s24 =	sld [smem:$0x3FFE];
	[sflag:s23] =	ssyncadd.s32 $0xFFFFFFFF  }
0xac: {  	s26 =	simm.s32 $execute0_lowered;
	[smem:$0x3FD2] =	sst s25  }
0xad: {  	s8 =	sshll.u32 s26, $0x1;
	_ =	strace $0x80000046;
	[dreg:$0x1] =	wrdreg $0xFFFFFFFF  }
0xae: {  	s28 =	simm.s32 $_size_execute0_lowered;
	s6 =	sadd.s32 s6, s8;
	[dreg:$0x0] =	wrdreg $0x0  }
0xaf: {  	s8 =	sshll.u32 s28, $0x1;
	[dreg:$0x2] =	wrdreg s6  }
0xb0: {  	[dreg:$0x3] =	wrdreg s8  }
0xb1: {  	[dreg:$0x4] =	wrdreg $0xC0  }
0xb2: {  	_ =	task [dreg:s10], $0x5FFFF  }
0xb3: {  	[dreg:$0x1] =	wrdreg $0xFFFFFFFF  }
0xb4: {  	[dreg:$0x0] =	wrdreg $0x60  }
0xb5: {  	[dreg:$0x2] =	wrdreg s15  }
0xb6: {  	[dreg:$0x3] =	wrdreg s4  }
0xb7: {  	[dreg:$0x4] =	wrdreg s24  }
0xb8: {  	[dreg:$0x5] =	wrdreg s17  }
0xb9: {  	[dreg:$0x6] =	wrdreg s16  }
0xba: {  	[dreg:$0x7] =	wrdreg $0x9  }
0xbb: {  	_ =	task.clear_ibuf [dreg:s10], $0x8FFFF;
	_ =	strace $0x90000046  }
0xbc: {  	s29 =	simm.s32 $0x9;
	_ =	strace $0x80000048  }
0xbd: {  	_ =	swait.ge [sflag:s29], $0x1  }
0xbe: {  	[sflag:s29] =	ssyncadd.s32 $0xFFFFFFFF  }
0xbf: {  	_ =	strace $0x90000048  }
0xc0: {  	_ =	sfence  }
0xc1: {  	s30 =	sld [smem:$0x0];
	_ =	sdelay $0x2  }
0xc2: {  	s31 =	sshll.u32 s1, $0xD;
	s1 =	sshrl.u32 s1, $0x2  }
0xc3: {  	s3 =	sand.u32 $0x4000, s31;
	s1 =	sadd.s32 s1, s30  }
0xc4: {  	s0 =	sor.u32 s3, s0;
	s1 =	sshll.u32 s1, $0x11  }
0xc5: {  	s0 =	sor.u32 s1, s0  }
0xc6: {  	s0 =	sadd.s32 $0x8F2B, s0  }
0xc7: {  	[sflag:s0] =	ssyncadd.remote.s32 $0x1  }
0xc8: {  	_ =	sfence.sel $0xFFFF  }
0xc9: {  	[dreg:$0x0] =	wrdreg $0xFFFFFFFF;
	(pc) =	sbr.abs _section_cstart, $3  }
0xca: {  	[dreg:$0x1] =	wrdreg $0xFFFFFFFF  }
0xcb: {  	_ =	task.clear_ibuf [dreg:s10], $0x2FFFF;
	_ =	strace $0x9FFFFFFF  }
0xcc: {  	(tm) =	ssettm $0x7FFFFFFF  }
0xcd: {  	_ =	shalt  }
tec
execute0_lowered:
.L_overlay_start_1:
0x0: {  	(tag) =	ssettag $0x1  }
0x1: {  	s5 =	rddreg [dreg:$0x0]  }
0x2: {  	s0 =	rddreg [dreg:$0x1]  }
0x3: {  	s6 =	rddreg [dreg:$0x2]  }
0x4: {  	s2 =	rddreg [dreg:$0x3]  }
0x5: {  	s4 =	rddreg [dreg:$0x4]  }
0x6: {  	s3 =	simm.s32 $0x0;
	[dreg:$0x6] =	wrdreg s0  }
0x7: {  	s13 =	simm.s32 $0x1080;
	[smem:$0x7FF] =	sst s3  }
0x8: {  	s14 =	simm.s32 $0x1880;
	_ =	strace $0x80000047;
	[dreg:$0x13] =	wrdreg s13  }
0x9: {  	s15 =	simm.s32 $0x2080;
	[dreg:$0x14] =	wrdreg s14  }
0xa: {  	s16 =	simm.s32 $0x2880;
	[dreg:$0x15] =	wrdreg s15  }
0xb: {  	s7 =	srdreg.scid;
	s17 =	simm.s32 $0x3080;
	[dreg:$0x16] =	wrdreg s16  }
0xc: {  	s19 =	simm.s32 $0x3880;
	s20 =	simm.s32 $0x4080;
	[dreg:$0x17] =	wrdreg s17  }
0xd: {  	s22 =	simm.s32 $0x4880;
	s23 =	simm.s32 $0x5080;
	[dreg:$0x18] =	wrdreg s19  }
0xe: {  	s24 =	simm.s32 $0x5880;
	s28 =	simm.s32 $0x2;
	[dreg:$0x19] =	wrdreg s20  }
0xf: {  	s0 =	stileid.u32;
	s7 =	sand.u32 $0x1, s7;
	[dreg:$0x1a] =	wrdreg s22  }
0x10: {  	s8 =	sshll.u32 s0, $0x1;
	s10 =	sshrl.u32 s0, $0x2;
	[dreg:$0x1b] =	wrdreg s23  }
0x11: {  	s18 =	ssub.s32 $0x2, s7;
	[dreg:$0x1c] =	wrdreg s24;
	p0 =	sgt.u32 s0, $0x7  }
0x12: {  	s13 =	simm.s32 $0x9880;
	s14 =	simm.s32 $0xA080;
	s15 =	simm.s32 $0xA880  }
0x13: {  	s16 =	simm.s32 $0xB080;
	s17 =	simm.s32 $0xB880;
	s19 =	simm.s32 $0xC880  }
0x14: {  	s20 =	simm.s32 $0xD080;
	s22 =	simm.s32 $0xE080;
	s23 =	simm.s32 $0xE880  }
0x15: {  	s24 =	simm.s32 $0xF080;
	s8 =	sor.u32 s7, s8;
	s12 =	sshll.u32 s10, $0xF  }
0x16: {  	s10 =	sshll.u32 s10, $0xE;
	s7 =	sshrl.u32 s18, $0x1;
	s9 =	sshll.u32 s8, $0x3  }
0x17: {  	s11 =	sshll.u32 s8, $0x7;
	s8 =	sshll.u32 s8, $0xD;
	s9 =	sadd.s32 s9, s6  }
0x18: {  	s21 =	ssub.s32 s18, s7;
	s6 =	sadd.s32 s8, s6;
	s9 =	sadd.s32 $0xC00, s9  }
0x19: {  	s7 =	sadd.s32 $0x300, s2;
	s29 =	sadd.s32 $0xE00, s6;
	[dreg:$0x7] =	wrdreg s9  }
0x1a: {  	s18 =	simm.s32 $0xC080;
	s30 =	sadd.s32 $0x40E00, s6;
	[dreg:$0xa] =	wrdreg s29  }
0x1b: {  	s11 =	sand.u32 $0x380, s11;
	s31 =	sadd.s32 $0x80E00, s6;
	[dreg:$0xb] =	wrdreg s30  }
0x1c: {  	s12 =	sor.u32 s12, s11;
	s1 =	sadd.s32 $0xC0E00, s6;
	[dreg:$0xc] =	wrdreg s31  }
0x1d: {  	s10 =	sor.u32 s10, s11;
	s8 =	sadd.s32 $0x100E00, s6;
	[dreg:$0xd] =	wrdreg s1  }
0x1e: {  	s11 =	sadd.s32 $0x1C0E00, s6;
	s25 =	sshrl.u32 s12, $0x3;
	[dreg:$0xe] =	wrdreg s8  }
0x1f: {  	s10 =	sshrl.u32 s10, $0x3;
	s9 =	sadd.s32 $0x140E00, s6;
	[dreg:$0x11] =	wrdreg s11  }
0x20: {  	s12 =	simm.s32 $0x880;
	s8 =	smax.u32 s21, $0x1;
	[dreg:$0xf] =	wrdreg s9  }
0x21: {  	s29 =	simm.s32 $0x7080;
	s30 =	simm.s32 $0x7880;
	[dreg:$0x12] =	wrdreg s12  }
0x22: {  	s31 =	simm.s32 $0x8080;
	s11 =	simm.s32 $0x8880;
	[dreg:$0x1f] =	wrdreg s29  }
0x23: {  	s21 =	simm.s32 $0xD880;
	s4 =	sadd.s32 s4, s25;
	[smem:$0x7FC] =	sst s30  }
0x24: {  	s5 =	sadd.s32 s5, s10;
	s10 =	sadd.s32 $0x180E00, s6;
	[smem:$0x7FD] =	sst s31  }
0x25: {  	s6 =	sadd.s32 $0x200, s2;
	s25 =	simm.s32 $0x6080;
	[dreg:$0x8] =	wrdreg s5  }
0x26: {  	s9 =	simm.s32 $0x3;
	s12 =	simm.s32 $0x9080;
	[dreg:$0x10] =	wrdreg s10  }
0x27: {  	v2 =	vlaneseq.u32;
	s26 =	sadd.s32 $0x800, s4;
	s5 =	sadd.s32 $0x100, s2;
	[dreg:$0x1d] =	wrdreg s25  }
0x28: {  	vm0 =	vmmov $0xffff;
	v1 =	vshrl.u32 v2, $0x3;
	s10 =	simm.s32 $0x80;
	[dreg:$0x9] =	wrdreg s26;
	s26 =	simm.s32 $0x6880  }
0x29: {  	v0 =	vand.u32 $0x7, v2;
	v2 =	vor.u32 $0x8, v2;
	v1 =	vmul.u32 $0x8, v1;
	s25 =	simm.s32 $0xF880;
	[dreg:$0x1e] =	wrdreg s26;
	s26 =	simm.s32 $0x1  }
.LBB2_1:
0x2a: {  	s29 =	rddreg [dreg:$0x7]  }
0x2b: {  	[tilespmem:s3], [sflag:$0x3] =	stream.linear.gather [hbm4b:s29+s3], $0x40, $0x38;
	[tilespmem:$0x10880] =	vst v63  }
0x2c: {  	_ =	swait.ge [sflag:s9], $0x40  }
0x2d: {  	[sflag:s9] =	ssyncset.done $0x0  }
0x2e: {  	[sflag:s9] =	ssyncadd.s32 $0xFFFFFFC0  }
0x2f: {  	v3 =	vld [tilespmem:$0x0];
	_ =	sdelay $0x4  }
0x30: {  	v4 =	vshll.u32 v3, $0x3  }
0x31: {  	v3 =	vand.u32 $0x7, v3;
	v4 =	vand.u32 $0xFFFFFFC0, v4  }
0x32: {  	v3 =	vor.u32 v3, v4  }
0x33: {  	v4 =	vperm.xlane v3, v0;
	_ =	sdelay $0x1  }
0x34: {  	v4 =	vadd.s32 v1, v4;
	_ =	sdelay $0x4  }
0x35: {  	[tilespmem:s10], [sflag:$0x1] =	stream.indirect_vreg.gather [hbm4b:s2+s3], $0x80, v4, vm0, $0xb8;
	[tilespmem:$0x10880] =	vst v63  }
0x36: {  	s31 =	rddreg [dreg:$0x12];
	v3 =	vperm.xlane v3, v2  }
0x37: {  	[tilespmem:s31], [sflag:$0x1] =	stream.indirect_vreg.gather [hbm4b:s5+s3], $0x80, v4, vm0, $0xb8;
	[tilespmem:$0x10880] =	vst v63  }
0x38: {  	s30 =	rddreg [dreg:$0x13];
	v3 =	vadd.s32 v1, v3  }
0x39: {  	[tilespmem:s30], [sflag:$0x1] =	stream.indirect_vreg.gather [hbm4b:s6+s3], $0x80, v4, vm0, $0xb8;
	[tilespmem:$0x10880] =	vst v63  }
0x3a: {  	s0 =	rddreg [dreg:$0x14]  }
0x3b: {  	[tilespmem:s0], [sflag:$0x1] =	stream.indirect_vreg.gather [hbm4b:s7+s3], $0x80, v4, vm0, $0xb8;
	[tilespmem:$0x10880] =	vst v63  }
0x3c: {  	s1 =	rddreg [dreg:$0x15]  }
0x3d: {  	[tilespmem:s1], [sflag:$0x1] =	stream.indirect_vreg.gather [hbm4b:s2+s3], $0x80, v3, vm0, $0xb8;
	[tilespmem:$0x10880] =	vst v63  }
0x3e: {  	s31 =	rddreg [dreg:$0x16]  }
0x3f: {  	[tilespmem:s31], [sflag:$0x1] =	stream.indirect_vreg.gather [hbm4b:s5+s3], $0x80, v3, vm0, $0xb8;
	[tilespmem:$0x10880] =	vst v63  }
0x40: {  	s0 =	rddreg [dreg:$0x17]  }
0x41: {  	[tilespmem:s0], [sflag:$0x1] =	stream.indirect_vreg.gather [hbm4b:s6+s3], $0x80, v3, vm0, $0xb8;
	[tilespmem:$0x10880] =	vst v63  }
0x42: {  	s1 =	rddreg [dreg:$0x18]  }
0x43: {  	[tilespmem:s1], [sflag:$0x1] =	stream.indirect_vreg.gather [hbm4b:s7+s3], $0x80, v3, vm0, $0xb8;
	[tilespmem:$0x10880] =	vst v63  }
0x44: {  	v3 =	vld [tilespmem:$0x10];
	_ =	sdelay $0x4  }
0x45: {  	v61 =	vshll.u32 v3, $0x3  }
0x46: {  	v3 =	vand.u32 $0x7, v3;
	v4 =	vand.u32 $0xFFFFFFC0, v61  }
0x47: {  	v3 =	vor.u32 v3, v4  }
0x48: {  	v4 =	vperm.xlane v3, v0;
	_ =	sdelay $0x1  }
0x49: {  	v4 =	vadd.s32 v1, v4;
	_ =	sdelay $0x2  }
0x4a: {  	s31 =	rddreg [dreg:$0x19]  }
0x4b: {  	s0 =	rddreg [dreg:$0x1a]  }
0x4c: {  	[tilespmem:s31], [sflag:$0x1] =	stream.indirect_vreg.gather [hbm4b:s2+s3], $0x80, v4, vm0, $0xb8;
	[tilespmem:$0x10880] =	vst v63  }
0x4d: {  	s1 =	rddreg [dreg:$0x1b];
	v3 =	vperm.xlane v3, v2  }
0x4e: {  	[tilespmem:s0], [sflag:$0x1] =	stream.indirect_vreg.gather [hbm4b:s5+s3], $0x80, v4, vm0, $0xb8;
	[tilespmem:$0x10880] =	vst v63  }
0x4f: {  	v3 =	vadd.s32 v1, v3;
	s31 =	rddreg [dreg:$0x1c]  }
0x50: {  	[tilespmem:s1], [sflag:$0x1] =	stream.indirect_vreg.gather [hbm4b:s6+s3], $0x80, v4, vm0, $0xb8;
	[tilespmem:$0x10880] =	vst v63  }
0x51: {  	s0 =	rddreg [dreg:$0x1d]  }
0x52: {  	[tilespmem:s31], [sflag:$0x1] =	stream.indirect_vreg.gather [hbm4b:s7+s3], $0x80, v4, vm0, $0xb8;
	[tilespmem:$0x10880] =	vst v63  }
0x53: {  	s1 =	rddreg [dreg:$0x1e]  }
0x54: {  	[tilespmem:s0], [sflag:$0x1] =	stream.indirect_vreg.gather [hbm4b:s2+s3], $0x80, v3, vm0, $0xb8;
	[tilespmem:$0x10880] =	vst v63  }
0x55: {  	s31 =	rddreg [dreg:$0x1f]  }
0x56: {  	[tilespmem:s1], [sflag:$0x1] =	stream.indirect_vreg.gather [hbm4b:s5+s3], $0x80, v3, vm0, $0xb8;
	[tilespmem:$0x10880] =	vst v63  }
0x57: {  	s0 =	sld [smem:$0x7FC]  }
0x58: {  	[tilespmem:s31], [sflag:$0x1] =	stream.indirect_vreg.gather [hbm4b:s6+s3], $0x80, v3, vm0, $0xb8;
	[tilespmem:$0x10880] =	vst v63  }
0x59: {  	_ = 	snop  }
0x5a: {  	[tilespmem:s0], [sflag:$0x1] =	stream.indirect_vreg.gather [hbm4b:s7+s3], $0x80, v3, vm0, $0xb8;
	[tilespmem:$0x10880] =	vst v63  }
0x5b: {  	v3 =	vld [tilespmem:$0x20];
	_ =	sdelay $0x4  }
0x5c: {  	v62 =	vshll.u32 v3, $0x3  }
0x5d: {  	v3 =	vand.u32 $0x7, v3;
	v4 =	vand.u32 $0xFFFFFFC0, v62  }
0x5e: {  	v3 =	vor.u32 v3, v4  }
0x5f: {  	v4 =	vperm.xlane v3, v0;
	_ =	sdelay $0x1  }
0x60: {  	v4 =	vadd.s32 v1, v4;
	_ =	sdelay $0x1  }
0x61: {  	s1 =	sld [smem:$0x7FD];
	_ =	sdelay $0x2  }
0x62: {  	[tilespmem:s1], [sflag:$0x1] =	stream.indirect_vreg.gather [hbm4b:s2+s3], $0x80, v4, vm0, $0xb8;
	[tilespmem:$0x10880] =	vst v63  }
0x63: {  	v3 =	vperm.xlane v3, v2  }
0x64: {  	[tilespmem:s11], [sflag:$0x1] =	stream.indirect_vreg.gather [hbm4b:s5+s3], $0x80, v4, vm0, $0xb8;
	[tilespmem:$0x10880] =	vst v63  }
0x65: {  	v3 =	vadd.s32 v1, v3  }
0x66: {  	[tilespmem:s12], [sflag:$0x1] =	stream.indirect_vreg.gather [hbm4b:s6+s3], $0x80, v4, vm0, $0xb8;
	[tilespmem:$0x10880] =	vst v63  }
0x67: {  	_ = 	snop  }
0x68: {  	[tilespmem:s13], [sflag:$0x1] =	stream.indirect_vreg.gather [hbm4b:s7+s3], $0x80, v4, vm0, $0xb8;
	[tilespmem:$0x10880] =	vst v63  }
0x69: {  	_ = 	snop  }
0x6a: {  	[tilespmem:s14], [sflag:$0x1] =	stream.indirect_vreg.gather [hbm4b:s2+s3], $0x80, v3, vm0, $0xb8;
	[tilespmem:$0x10880] =	vst v63  }
0x6b: {  	_ = 	snop  }
0x6c: {  	[tilespmem:s15], [sflag:$0x1] =	stream.indirect_vreg.gather [hbm4b:s5+s3], $0x80, v3, vm0, $0xb8;
	[tilespmem:$0x10880] =	vst v63  }
0x6d: {  	_ = 	snop  }
0x6e: {  	[tilespmem:s16], [sflag:$0x1] =	stream.indirect_vreg.gather [hbm4b:s6+s3], $0x80, v3, vm0, $0xb8;
	[tilespmem:$0x10880] =	vst v63  }
0x6f: {  	_ = 	snop  }
0x70: {  	[tilespmem:s17], [sflag:$0x1] =	stream.indirect_vreg.gather [hbm4b:s7+s3], $0x80, v3, vm0, $0xb8;
	[tilespmem:$0x10880] =	vst v63  }
0x71: {  	v3 =	vld [tilespmem:$0x30];
	_ =	sdelay $0x4  }
0x72: {  	v63 =	vshll.u32 v3, $0x3  }
0x73: {  	v3 =	vand.u32 $0x7, v3;
	v4 =	vand.u32 $0xFFFFFFC0, v63  }
0x74: {  	v3 =	vor.u32 v3, v4  }
0x75: {  	v4 =	vperm.xlane v3, v0;
	_ =	sdelay $0x1  }
0x76: {  	v4 =	vadd.s32 v1, v4;
	_ =	sdelay $0x4  }
0x77: {  	[tilespmem:s18], [sflag:$0x1] =	stream.indirect_vreg.gather [hbm4b:s2+s3], $0x80, v4, vm0, $0xb8;
	[tilespmem:$0x10880] =	vst v63  }
0x78: {  	v3 =	vperm.xlane v3, v2  }
0x79: {  	[tilespmem:s19], [sflag:$0x1] =	stream.indirect_vreg.gather [hbm4b:s5+s3], $0x80, v4, vm0, $0xb8;
	[tilespmem:$0x10880] =	vst v63  }
0x7a: {  	v3 =	vadd.s32 v1, v3  }
0x7b: {  	[tilespmem:s20], [sflag:$0x1] =	stream.indirect_vreg.gather [hbm4b:s6+s3], $0x80, v4, vm0, $0xb8;
	[tilespmem:$0x10880] =	vst v63  }
0x7c: {  	_ = 	snop  }
0x7d: {  	[tilespmem:s21], [sflag:$0x1] =	stream.indirect_vreg.gather [hbm4b:s7+s3], $0x80, v4, vm0, $0xb8;
	[tilespmem:$0x10880] =	vst v63  }
0x7e: {  	_ = 	snop  }
0x7f: {  	[tilespmem:s22], [sflag:$0x1] =	stream.indirect_vreg.gather [hbm4b:s2+s3], $0x80, v3, vm0, $0xb8;
	[tilespmem:$0x10880] =	vst v63  }
0x80: {  	_ = 	snop  }
0x81: {  	[tilespmem:s23], [sflag:$0x1] =	stream.indirect_vreg.gather [hbm4b:s5+s3], $0x80, v3, vm0, $0xb8;
	[tilespmem:$0x10880] =	vst v63  }
0x82: {  	_ = 	snop  }
0x83: {  	[tilespmem:s24], [sflag:$0x1] =	stream.indirect_vreg.gather [hbm4b:s6+s3], $0x80, v3, vm0, $0xb8;
	[tilespmem:$0x10880] =	vst v63  }
0x84: {  	_ = 	snop  }
0x85: {  	[tilespmem:s25], [sflag:$0x1] =	stream.indirect_vreg.gather [hbm4b:s7+s3], $0x80, v3, vm0, $0xb8;
	[tilespmem:$0x10880] =	vst v63  }
0x86: {  	s29 =	rddreg [dreg:$0x6];
	s30 =	simm.s32 @!p0 $0x0;
	s31 =	simm.s32 @!p0 $0x10080  }
0x87: {  	[tilespmem:s31], [sflag:$0x3] =	stream.linear.gather @!p0 [hbm4b:s29+s30], $0x800, $0x38;
	[tilespmem:$0x10880] =	vst v63  }
0x88: {  	s29 =	simm.s32 @!p0 $0x3  }
0x89: {  	_ =	swait.ge @!p0 [sflag:s29], $0x800  }
0x8a: {  	[sflag:s29] =	ssyncset.done @!p0 $0x0  }
0x8b: {  	s0 =	simm.s32 @!p0 $0x400;
	s30 =	simm.s32 @!p0 $0x80;
	[sflag:s29] =	ssyncadd.s32 @!p0 $0xFFFFF800  }
0x8c: {  	[hbm4b:s4+s30] =	stream.strided.scatter @!p0 [tilespmem:s31], [sflag:$0x3], $0x800, s0, s30, $0x38;
	[tilespmem:$0x10880] =	vst v63  }
0x8d: {  	_ =	swait.ge @!p0 [sflag:s29], $0x800  }
0x8e: {  	[sflag:s29] =	ssyncset.done @!p0 $0x0  }
0x8f: {  	s1 =	rddreg [dreg:$0x8];
	[sflag:s29] =	ssyncadd.s32 @!p0 $0xFFFFF800  }
0x90: {  	[tilespmem:s31], [sflag:$0x3] =	stream.strided.gather @!p0 [hbm4b:s1+s30], $0x800, s0, s30, $0x38;
	[tilespmem:$0x10880] =	vst v63  }
0x91: {  	_ =	swait.ge @!p0 [sflag:s29], $0x800  }
0x92: {  	[sflag:s29] =	ssyncset.done @!p0 $0x0  }
0x93: {  	s1 =	rddreg [dreg:$0x9];
	[sflag:s29] =	ssyncadd.s32 @!p0 $0xFFFFF800  }
0x94: {  	[hbm4b:s1+s30] =	stream.strided.scatter @!p0 [tilespmem:s31], [sflag:$0x3], $0x800, s0, s30, $0x38;
	[tilespmem:$0x10880] =	vst v63  }
0x95: {  	_ =	swait.ge @!p0 [sflag:s29], $0x800  }
0x96: {  	[sflag:s29] =	ssyncset.done @!p0 $0x0  }
0x97: {  	[sflag:s29] =	ssyncadd.s32 @!p0 $0xFFFFF800  }
0x98: {  	_ =	swait.ge [sflag:s26], $0x10000  }
0x99: {  	[sflag:s26] =	ssyncset.done $0x0  }
0x9a: {  	s30 =	rddreg [dreg:$0xa];
	[sflag:s26] =	ssyncadd.s32 $0xFFFF0000  }
0x9b: {  	[hbm4b:s30+s3] =	stream.linear.scatter [tilespmem:s10], [sflag:$0x2], $0x10000, $0x38;
	[tilespmem:$0x10880] =	vst v63  }
0x9c: {  	s31 =	rddreg [dreg:$0xb]  }
0x9d: {  	[hbm4b:s31+s3] =	stream.linear.scatter [tilespmem:s10], [sflag:$0x2], $0x10000, $0x38;
	[tilespmem:$0x10880] =	vst v63  }
0x9e: {  	s29 =	rddreg [dreg:$0xc]  }
0x9f: {  	[hbm4b:s29+s3] =	stream.linear.scatter [tilespmem:s10], [sflag:$0x2], $0x10000, $0x38;
	[tilespmem:$0x10880] =	vst v63  }
0xa0: {  	s30 =	rddreg [dreg:$0xd]  }
0xa1: {  	[hbm4b:s30+s3] =	stream.linear.scatter [tilespmem:s10], [sflag:$0x2], $0x10000, $0x38;
	[tilespmem:$0x10880] =	vst v63  }
0xa2: {  	s31 =	rddreg [dreg:$0xe]  }
0xa3: {  	[hbm4b:s31+s3] =	stream.linear.scatter [tilespmem:s10], [sflag:$0x2], $0x10000, $0x38;
	[tilespmem:$0x10880] =	vst v63  }
0xa4: {  	s29 =	rddreg [dreg:$0xf]  }
0xa5: {  	[hbm4b:s29+s3] =	stream.linear.scatter [tilespmem:s10], [sflag:$0x2], $0x10000, $0x38;
	[tilespmem:$0x10880] =	vst v63  }
0xa6: {  	s30 =	rddreg [dreg:$0x10]  }
0xa7: {  	[hbm4b:s30+s3] =	stream.linear.scatter [tilespmem:s10], [sflag:$0x2], $0x10000, $0x38;
	[tilespmem:$0x10880] =	vst v63  }
0xa8: {  	s31 =	rddreg [dreg:$0x11]  }
0xa9: {  	[hbm4b:s31+s3] =	stream.linear.scatter [tilespmem:s10], [sflag:$0x2], $0x10000, $0x38;
	[tilespmem:$0x10880] =	vst v63  }
0xaa: {  	_ =	swait.ge [sflag:s28], $0x10000  }
0xab: {  	[sflag:s28] =	ssyncset.done $0x0  }
0xac: {  	[sflag:s28] =	ssyncadd.s32 $0xFFFF0000  }
0xad: {  	_ =	swait.ge [sflag:s28], $0x10000  }
0xae: {  	[sflag:s28] =	ssyncset.done $0x0  }
0xaf: {  	[sflag:s28] =	ssyncadd.s32 $0xFFFF0000  }
0xb0: {  	_ =	swait.ge [sflag:s28], $0x10000  }
0xb1: {  	[sflag:s28] =	ssyncset.done $0x0  }
0xb2: {  	[sflag:s28] =	ssyncadd.s32 $0xFFFF0000  }
0xb3: {  	_ =	swait.ge [sflag:s28], $0x10000  }
0xb4: {  	[sflag:s28] =	ssyncset.done $0x0  }
0xb5: {  	[sflag:s28] =	ssyncadd.s32 $0xFFFF0000  }
0xb6: {  	_ =	swait.ge [sflag:s28], $0x10000  }
0xb7: {  	[sflag:s28] =	ssyncset.done $0x0  }
0xb8: {  	[sflag:s28] =	ssyncadd.s32 $0xFFFF0000  }
0xb9: {  	_ =	swait.ge [sflag:s28], $0x10000  }
0xba: {  	[sflag:s28] =	ssyncset.done $0x0  }
0xbb: {  	s8 =	sadd.s32 $0xFFFFFFFF, s8;
	[sflag:s28] =	ssyncadd.s32 $0xFFFF0000  }
0xbc: {  	p1 =	sne.s32 s8, $0x0;
	_ =	swait.ge [sflag:s28], $0x10000  }
.Ltmp0:
0xbd: {  	[sflag:s28] =	ssyncset.done $0x0;
	(pc) =	sbr.rel @p1 .LBB2_1-.Ltmp0, $4  }
0xbe: {  	[sflag:s28] =	ssyncadd.s32 $0xFFFF0000  }
0xbf: {  	_ =	swait.ge [sflag:s28], $0x10000  }
0xc0: {  	[sflag:s28] =	ssyncset.done $0x0  }
0xc1: {  	[sflag:s28] =	ssyncadd.s32 $0xFFFF0000  }
0xc2: {  	_ =	sfence.sel $0x180000  }
0xc3: {  	[bflag:$0x0] =	sbarrier.arrive $0xFFFF  }
0xc4: {  	_ =	strace $0x90000047  }
0xc5: {  	s0 =	stileid.u32;
	[bflag:$0x2] =	sbarrier.arrive $0xFFFF  }
0xc6: {  	p0 =	sne.s32 s0, $0x0;
	s0 =	rddreg [dreg:$0x5]  }
0xc7: {  	s0 =	sadd.s32 @!p0 $0x100000, s0  }
0xc8: {  	[sflag:s0] =	ssyncadd.tile.s32 @!p0 $0x1;
	_ =	shalt  }
.Lfunc_end2:
_tile_overlayer_lowered:
.L_overlay_start_2:
0xc9: {  	(tag) =	ssettag $0x2  }
0xca: {  	s0 =	rddreg [dreg:$0x0];
	s2 =	stileid.u32  }
0xcb: {  	s1 =	rddreg [dreg:$0x1];
	p0 =	sne.s32 s2, $0x0  }
0xcc: {  	s3 =	rddreg [dreg:$0x2];
	[bflag:$0x3] =	sbarrier.arrive $0xFFFF;
	s2 =	simm.s32 @!p0 $0x1C03  }
0xcd: {  	[timem:s3], [sflag:s2] =	dma.local @!p0 [hbm:s0], s1  }
0xce: {  	s0 =	simm.s32 @!p0 $0x3  }
0xcf: {  	_ =	swait.ge @!p0 [sflag:s0], s1  }
0xd0: {  	s1 =	ssub.s32 @!p0 $0x0, s1;
	[sflag:s0] =	ssyncset.done @!p0 $0x0  }
0xd1: {  	[sflag:s0] =	ssyncadd.s32 @!p0 s1  }
0xd2: {  	[bflag:$0x3] =	sbarrier.arrive $0xFFFF  }
0xd3: {  	_ =	shalt  }

</sc_bundles>
